<compile_context>
chip_gen: v7x
topology: tpu7x:2x2x1
jax: 0.10.2.dev20260603
libtpu: 0.0.44.dev20260713+nightly
codegen_flags: <defaults>
</compile_context>

<pallas_src>
import functools

import jax
import jax.numpy as jnp
from jax import lax
from jax.experimental import pallas as pl
from jax.experimental.pallas import tpu as pltpu
from jax.experimental.pallas import tpu_sc as plsc

_BLK = 2048
_MP = 1024
_NC = 2
_NS = 16
_CHUNK = 128


def _phase1_body(m, q_ref, k_ref, wq_ref, g_ref, cm_ref, cms):
    i = pl.program_id(0)
    qb = q_ref[...]
    ss = jnp.sum(qb * qb, axis=1, keepdims=True)
    qn = qb * jax.lax.rsqrt(ss + 1e-24)
    scT = jax.lax.dot_general(
        k_ref[...], qn.astype(jnp.bfloat16),
        (((1,), (1,)), ((), ())), preferred_element_type=jnp.float32)
    ri = jax.lax.broadcasted_iota(jnp.int32, (_MP, 1), 0)
    offv = jnp.where(ri < m, jnp.float32(32.0), -jnp.inf)
    invv = jnp.where(ri < m, (_MP - 1) - ri, 0)
    sc2 = scT + offv
    kb = jax.lax.bitcast_convert_type(sc2, jnp.int32)
    keyf = jax.lax.bitcast_convert_type(
        (kb & jnp.int32(-1024)) | invv, jnp.float32)
    gk = jnp.max(keyf, axis=0, keepdims=True)
    colp = jnp.max(sc2, axis=1, keepdims=True)
    gb = jax.lax.bitcast_convert_type(gk, jnp.int32)
    g = (_MP - 1) - (gb & 1023)
    s2 = jax.lax.bitcast_convert_type(gb & jnp.int32(-1024), jnp.float32)
    es = jnp.exp(s2)
    esT = jax.lax.transpose(jnp.broadcast_to(es, (128, _BLK)), (1, 0))
    wq_ref[...] = qn * esT
    g_ref[...] = g.reshape(1, 1, _BLK)

    @pl.when(i == 0)
    def _():
        cms[...] = colp

    @pl.when(i > 0)
    def _():
        cms[...] = jnp.maximum(cms[...], colp)

    @pl.when(i == pl.num_programs(0) - 1)
    def _():
        cm_ref[...] = cms[...]


def _scatter_body(n_tok, wq_hbm, g2_hbm, z_hbm, out_hbm,
                  idx_v, bufs, gsems, acc_sh):
    c = lax.axis_index("c")
    s = lax.axis_index("s")
    wid = s * _NC + c
    per_w = n_tok // (_NC * _NS)
    nch = per_w // _CHUNK

    @pl.when(s == 0)
    def _():
        pltpu.sync_copy(z_hbm, acc_sh)

    pltpu.sync_copy(g2_hbm.at[pl.ds(wid * nch, nch)], idx_v)

    base = wid * per_w
    gh = [None] * nch
    gh[0] = pltpu.async_copy(
        wq_hbm.at[pl.ds(base, _CHUNK)], bufs[0], gsems[0])
    plsc.subcore_barrier()
    for ch in range(nch):
        if ch + 1 < nch:
            gh[ch + 1] = pltpu.async_copy(
                wq_hbm.at[pl.ds(base + (ch + 1) * _CHUNK, _CHUNK)],
                bufs[ch + 1], gsems[ch + 1])
        gh[ch].wait()
        pltpu.sync_copy(bufs[ch], acc_sh.at[idx_v.at[ch]], add=True)

    plsc.subcore_barrier()
    rows_per_tile = _MP // _NS
    pltpu.sync_copy(acc_sh.at[pl.ds(s * rows_per_tile, rows_per_tile)],
                    out_hbm.at[pl.ds(c * _MP + s * rows_per_tile, rows_per_tile)])


def _finalize_body(m, np_, k_ref, *refs):
    acc_refs = refs[:np_]
    cm_refs = refs[np_:2 * np_]
    out_ref = refs[2 * np_]
    upd = acc_refs[0][0:_MP, :] + acc_refs[0][_MP:2 * _MP, :]
    cm = cm_refs[0][...]
    for j in range(1, np_):
        upd = upd + acc_refs[j][0:_MP, :] + acc_refs[j][_MP:2 * _MP, :]
        cm = jnp.maximum(cm, cm_refs[j][...])
    x = 1e-5 * (upd[0:m, :] * jnp.exp(-cm[0:m, :])) + k_ref[...]
    nrm = jnp.sqrt(jnp.sum(x * x, axis=1, keepdims=True))
    out_ref[...] = x / jnp.maximum(nrm, 1e-12)


_NP = 2


def kernel(query, keys):
    bs, t, d = query.shape
    m = keys.shape[0]
    n_tok = bs * t
    nb = n_tok // _BLK
    q2 = query.reshape(n_tok, d)
    kp = jnp.pad(keys, ((0, _MP - m), (0, 0))).astype(jnp.bfloat16)

    npb = nb // _NP
    ck_tok = n_tok // _NP
    nch = ck_tok // (_NC * _NS) // _CHUNK
    mesh = plsc.VectorSubcoreMesh(
        core_axis_name="c", subcore_axis_name="s",
        num_cores=_NC, num_subcores=_NS)
    zeros = jnp.zeros((_MP, d), jnp.float32)

    accs, cms = [], []
    for j in range(_NP):
        wq_j, g_j, cm_j = pl.pallas_call(
            functools.partial(_phase1_body, m),
            grid=(npb,),
            in_specs=[
                pl.BlockSpec((_BLK, d), lambda i, j=j: (j * npb + i, 0)),
                pl.BlockSpec((_MP, d), lambda i: (0, 0)),
            ],
            out_specs=[
                pl.BlockSpec((_BLK, d), lambda i: (i, 0)),
                pl.BlockSpec((1, 1, _BLK), lambda i: (i, 0, 0)),
                pl.BlockSpec((_MP, 1), lambda i: (0, 0)),
            ],
            out_shape=[
                jax.ShapeDtypeStruct((ck_tok, d), jnp.float32),
                jax.ShapeDtypeStruct((npb, 1, _BLK), jnp.int32),
                jax.ShapeDtypeStruct((_MP, 1), jnp.float32),
            ],
            scratch_shapes=[pltpu.VMEM((_MP, 1), jnp.float32)],
        )(q2, kp)

        acc_j = pl.kernel(
            functools.partial(_scatter_body, ck_tok),
            out_type=jax.ShapeDtypeStruct((_NC * _MP, d), jnp.float32),
            mesh=mesh,
            scratch_types=[
                pltpu.VMEM((nch, _CHUNK), jnp.int32),
                tuple(pltpu.VMEM((_CHUNK, d), jnp.float32) for _ in range(nch)),
                tuple(pltpu.SemaphoreType.DMA for _ in range(nch)),
                pltpu.VMEM_SHARED((_MP, d), jnp.float32),
            ],
        )(wq_j, g_j.reshape(ck_tok // _CHUNK, _CHUNK), zeros)
        accs.append(acc_j)
        cms.append(cm_j)

    out = pl.pallas_call(
        functools.partial(_finalize_body, m, _NP),
        in_specs=[pl.BlockSpec((m, d), lambda: (0, 0))]
        + [pl.BlockSpec((_NC * _MP, d), lambda: (0, 0))] * _NP
        + [pl.BlockSpec((_MP, 1), lambda: (0, 0))] * _NP,
        out_specs=pl.BlockSpec((m, d), lambda: (0, 0)),
        out_shape=jax.ShapeDtypeStruct((m, d), jnp.float32),
    )(keys, *accs, *cms)
    return out

# --- scband reference (transcript-rebuilt; emitter-appended) ---
"""Pipeline reference for scband-memory-2654289789385 (READ-ONLY COPY).

The authoritative reference and input builder live on the scoring server;
editing this copy changes nothing except your own understanding.
"""

import jax, jax.numpy as jnp
import numpy as np


def _normalize(x, axis):
    # torch F.normalize(p=2, eps=1e-12)
    n = jnp.linalg.norm(x, axis=axis, keepdims=True)
    return x / jnp.maximum(n, 1e-12)


def setup_inputs(seed: int = 0) -> dict:
    key = jax.random.key(seed)
    k1, k2 = jax.random.split(key)
    query = jax.random.normal(k1, (16, 2048, 128), dtype=jnp.float32)
    keys = jax.random.normal(k2, (1000, 128), dtype=jnp.float32)
    return {"query": query, "keys": keys}


def reference(query, keys):
    # forward: query = F.normalize(query, dim=2); updated_memory = update(query, keys)
    query = _normalize(query, 2)
    bs, t_seg, d = query.shape
    m = keys.shape[0]

    # get_score(keys, query)
    score = jnp.matmul(query, keys.T).reshape(bs * t_seg, m)
    softmax_score_query = jax.nn.softmax(score, axis=0)
    softmax_score_memory = jax.nn.softmax(score, axis=1)

    query_reshape = query.reshape(bs * t_seg, d)

    # topk(softmax_score_memory, 1, dim=1) -> per-token best memory slot
    gathering_indices = jnp.argmax(softmax_score_memory, axis=1)

    # get_update_query: for each slot i, sum over tokens assigned to i of
    #   (score_query[n, i] / max_n score_query[n, i]) * query[n]
    col_max = jnp.max(softmax_score_query, axis=0)  # [m]
    n_tok = bs * t_seg
    w = softmax_score_query[jnp.arange(n_tok), gathering_indices] / col_max[gathering_indices]
    query_update = jax.ops.segment_sum(w[:, None] * query_reshape, gathering_indices, num_segments=m)

    updated_memory = _normalize(1e-05 * query_update + keys, 1)
    # torch does .detach() on the returned memory
    return jax.lax.stop_gradient(updated_memory)

if __name__ == "__main__":
    import jax
    _d = setup_inputs()
    print(jax.jit(kernel)(*tuple(_d.values())))

</pallas_src>

<mosaic_0001>
#map = affine_map<(d0, d1) -> (0, 0)>
module attributes {stable_mosaic.version = 14 : i64} {
  func.func @_scatter_body(%arg0: i32, %arg1: i32, %arg2: memref<16384x128xf32, #tpu.memory_space<hbm>>, %arg3: memref<128x128xi32, #tpu.memory_space<hbm>>, %arg4: memref<1024x128xf32, #tpu.memory_space<hbm>>, %arg5: memref<2048x128xf32, #tpu.memory_space<hbm>>, %arg6: memref<4x128xi32, #tpu.memory_space<vmem>>, %arg7: memref<128x128xf32, #tpu.memory_space<vmem>>, %arg8: memref<128x128xf32, #tpu.memory_space<vmem>>, %arg9: memref<128x128xf32, #tpu.memory_space<vmem>>, %arg10: memref<128x128xf32, #tpu.memory_space<vmem>>, %arg11: memref<!tpu.dma_semaphore, #tpu.memory_space<semaphore_mem>>, %arg12: memref<!tpu.dma_semaphore, #tpu.memory_space<semaphore_mem>>, %arg13: memref<!tpu.dma_semaphore, #tpu.memory_space<semaphore_mem>>, %arg14: memref<!tpu.dma_semaphore, #tpu.memory_space<semaphore_mem>>, %arg15: memref<1024x128xf32, #tpu.memory_space<vmem_shared>>) attributes {dimension_semantics = [#tpu.dimension_semantics<core_parallel>, #tpu.dimension_semantics<subcore_parallel>], iteration_bounds = array<i64: 2, 16>, scalar_prefetch = 0 : i64, scratch_operands = 10 : i64, tpu.core_type = #tpu.core_type<sc_vector_subcore>, window_params = [{transform_indices = #map}, {transform_indices = #map}, {transform_indices = #map}, {transform_indices = #map}]} {
    %mul3A = arith.constant 2 : i32
    %mul3A_0 = arith.muli %arg1, %mul3A : i32
    %add3A = arith.addi %mul3A_0, %arg0 : i32
    %eq3A = arith.constant 0 : i32
    %eq3A_1 = arith.cmpi eq, %arg1, %eq3A : i32
    %convert_element_type3A = arith.extui %eq3A_1 : i1 to i32
    %cond3A = arith.constant 0 : i32
    %cond3A_2 = arith.cmpi ne, %convert_element_type3A, %cond3A : i32
    scf.if %cond3A_2 {
      "tpu.region"() ({
        %run_scoped3A_54 = tpu.sem_alloc : memref<!tpu.dma_semaphore, #tpu.memory_space<semaphore_mem>>
        tpu.enqueue_dma source(%arg4 : memref<1024x128xf32, #tpu.memory_space<hbm>>) target(%arg15 : memref<1024x128xf32, #tpu.memory_space<vmem_shared>>) target_semaphore(%run_scoped3A_54 : memref<!tpu.dma_semaphore, #tpu.memory_space<semaphore_mem>>)
        tpu.wait_dma2 semaphore(%run_scoped3A_54 : memref<!tpu.dma_semaphore, #tpu.memory_space<semaphore_mem>>) src(%arg4 : memref<1024x128xf32, #tpu.memory_space<hbm>>) dst(%arg15 : memref<1024x128xf32, #tpu.memory_space<vmem_shared>>)
        tpu.yield
      }) : () -> ()
    } else {
    }
    %mul3A_3 = arith.constant 4 : i32
    %mul3A_4 = arith.muli %add3A, %mul3A_3 : i32
    "tpu.region"() ({
      %run_scoped3A_54 = tpu.sem_alloc : memref<!tpu.dma_semaphore, #tpu.memory_space<semaphore_mem>>
      %dma_start3A_55 = arith.constant 0 : i32
      %dma_start3A_56 = tpu.memref_slice %arg3[%mul3A_4, %dma_start3A_55] : memref<128x128xi32, #tpu.memory_space<hbm>> -> memref<4x128xi32, #tpu.memory_space<hbm>>
      %dma_start3A_57 = arith.constant 0 : i32
      %dma_start3A_58 = tpu.memref_slice %arg3[%mul3A_4, %dma_start3A_57] : memref<128x128xi32, #tpu.memory_space<hbm>> -> memref<4x128xi32, #tpu.memory_space<hbm>>
      tpu.enqueue_dma source(%dma_start3A_58 : memref<4x128xi32, #tpu.memory_space<hbm>>) target(%arg6 : memref<4x128xi32, #tpu.memory_space<vmem>>) target_semaphore(%run_scoped3A_54 : memref<!tpu.dma_semaphore, #tpu.memory_space<semaphore_mem>>)
      %dma_wait3A_59 = arith.constant 0 : i32
      %dma_wait3A_60 = tpu.memref_slice %arg3[%mul3A_4, %dma_wait3A_59] : memref<128x128xi32, #tpu.memory_space<hbm>> -> memref<4x128xi32, #tpu.memory_space<hbm>>
      %dma_wait3A_61 = arith.constant 0 : i32
      %dma_wait3A_62 = tpu.memref_slice %arg3[%mul3A_4, %dma_wait3A_61] : memref<128x128xi32, #tpu.memory_space<hbm>> -> memref<4x128xi32, #tpu.memory_space<hbm>>
      tpu.wait_dma2 semaphore(%run_scoped3A_54 : memref<!tpu.dma_semaphore, #tpu.memory_space<semaphore_mem>>) src(%dma_wait3A_62 : memref<4x128xi32, #tpu.memory_space<hbm>>) dst(%arg6 : memref<4x128xi32, #tpu.memory_space<vmem>>)
      tpu.yield
    }) : () -> ()
    %mul3A_5 = arith.constant 512 : i32
    %mul3A_6 = arith.muli %add3A, %mul3A_5 : i32
    %dma_start3A = arith.constant 0 : i32
    %dma_start3A_7 = tpu.memref_slice %arg2[%mul3A_6, %dma_start3A] : memref<16384x128xf32, #tpu.memory_space<hbm>> -> memref<128x128xf32, #tpu.memory_space<hbm>>
    %dma_start3A_8 = arith.constant 0 : i32
    %dma_start3A_9 = tpu.memref_slice %arg2[%mul3A_6, %dma_start3A_8] : memref<16384x128xf32, #tpu.memory_space<hbm>> -> memref<128x128xf32, #tpu.memory_space<hbm>>
    tpu.enqueue_dma source(%dma_start3A_9 : memref<128x128xf32, #tpu.memory_space<hbm>>) target(%arg7 : memref<128x128xf32, #tpu.memory_space<vmem>>) target_semaphore(%arg11 : memref<!tpu.dma_semaphore, #tpu.memory_space<semaphore_mem>>)
    %barrier3A = arith.constant 0 : index
    tpu.barrier barrier_id(%barrier3A)
    %add3A_10 = arith.constant 128 : i32
    %add3A_11 = arith.addi %mul3A_6, %add3A_10 : i32
    %dma_start3A_12 = arith.constant 0 : i32
    %dma_start3A_13 = tpu.memref_slice %arg2[%add3A_11, %dma_start3A_12] : memref<16384x128xf32, #tpu.memory_space<hbm>> -> memref<128x128xf32, #tpu.memory_space<hbm>>
    %dma_start3A_14 = arith.constant 0 : i32
    %dma_start3A_15 = tpu.memref_slice %arg2[%add3A_11, %dma_start3A_14] : memref<16384x128xf32, #tpu.memory_space<hbm>> -> memref<128x128xf32, #tpu.memory_space<hbm>>
    tpu.enqueue_dma source(%dma_start3A_15 : memref<128x128xf32, #tpu.memory_space<hbm>>) target(%arg8 : memref<128x128xf32, #tpu.memory_space<vmem>>) target_semaphore(%arg12 : memref<!tpu.dma_semaphore, #tpu.memory_space<semaphore_mem>>)
    %dma_wait3A = arith.constant 0 : i32
    %dma_wait3A_16 = tpu.memref_slice %arg2[%mul3A_6, %dma_wait3A] : memref<16384x128xf32, #tpu.memory_space<hbm>> -> memref<128x128xf32, #tpu.memory_space<hbm>>
    %dma_wait3A_17 = arith.constant 0 : i32
    %dma_wait3A_18 = tpu.memref_slice %arg2[%mul3A_6, %dma_wait3A_17] : memref<16384x128xf32, #tpu.memory_space<hbm>> -> memref<128x128xf32, #tpu.memory_space<hbm>>
    tpu.wait_dma2 semaphore(%arg11 : memref<!tpu.dma_semaphore, #tpu.memory_space<semaphore_mem>>) src(%dma_wait3A_18 : memref<128x128xf32, #tpu.memory_space<hbm>>) dst(%arg7 : memref<128x128xf32, #tpu.memory_space<vmem>>)
    %run_scoped3A = arith.constant 0 : i32
    "tpu.region"() ({
      %run_scoped3A_54 = tpu.sem_alloc : memref<!tpu.dma_semaphore, #tpu.memory_space<semaphore_mem>>
      %dma_start3A_55 = arith.constant 0 : i32
      %dma_start3A_56 = tpu.memref_slice %arg6[%run_scoped3A, %dma_start3A_55] : memref<4x128xi32, #tpu.memory_space<vmem>> -> memref<1x128xi32, #tpu.memory_space<vmem>>
      %dma_start3A_57 = tpu.memref_squeeze %dma_start3A_56 : memref<1x128xi32, #tpu.memory_space<vmem>> -> memref<128xi32, #tpu.memory_space<vmem>>
      %dma_start3A_58 = arith.constant 0 : i32
      %dma_start3A_59 = arith.constant 0 : i32
      %dma_start3A_60 = tpu.memref_slice %arg15[%dma_start3A_58, %dma_start3A_59] : memref<1024x128xf32, #tpu.memory_space<vmem_shared>> -> memref<1024x128xf32, #tpu.memory_space<vmem_shared>>
      tpu.enqueue_indirect_dma source(%arg7 : memref<128x128xf32, #tpu.memory_space<vmem>>) target(%dma_start3A_60 : memref<1024x128xf32, #tpu.memory_space<vmem_shared>>) offsets(%dma_start3A_57 : memref<128xi32, #tpu.memory_space<vmem>>) semaphore(%run_scoped3A_54 : memref<!tpu.dma_semaphore, #tpu.memory_space<semaphore_mem>>) {add = true}
      %dma_wait3A_61 = arith.constant 0 : i32
      %dma_wait3A_62 = tpu.memref_slice %arg6[%run_scoped3A, %dma_wait3A_61] : memref<4x128xi32, #tpu.memory_space<vmem>> -> memref<1x128xi32, #tpu.memory_space<vmem>>
      %dma_wait3A_63 = tpu.memref_squeeze %dma_wait3A_62 : memref<1x128xi32, #tpu.memory_space<vmem>> -> memref<128xi32, #tpu.memory_space<vmem>>
      %dma_wait3A_64 = arith.constant 0 : i32
      %dma_wait3A_65 = arith.constant 0 : i32
      %dma_wait3A_66 = tpu.memref_slice %arg15[%dma_wait3A_64, %dma_wait3A_65] : memref<1024x128xf32, #tpu.memory_space<vmem_shared>> -> memref<1024x128xf32, #tpu.memory_space<vmem_shared>>
      tpu.wait_indirect_dma semaphore(%run_scoped3A_54 : memref<!tpu.dma_semaphore, #tpu.memory_space<semaphore_mem>>) src(%arg7 : memref<128x128xf32, #tpu.memory_space<vmem>>) dst(%dma_wait3A_66 : memref<1024x128xf32, #tpu.memory_space<vmem_shared>>)
      tpu.yield
    }) : () -> ()
    %add3A_19 = arith.constant 256 : i32
    %add3A_20 = arith.addi %mul3A_6, %add3A_19 : i32
    %dma_start3A_21 = arith.constant 0 : i32
    %dma_start3A_22 = tpu.memref_slice %arg2[%add3A_20, %dma_start3A_21] : memref<16384x128xf32, #tpu.memory_space<hbm>> -> memref<128x128xf32, #tpu.memory_space<hbm>>
    %dma_start3A_23 = arith.constant 0 : i32
    %dma_start3A_24 = tpu.memref_slice %arg2[%add3A_20, %dma_start3A_23] : memref<16384x128xf32, #tpu.memory_space<hbm>> -> memref<128x128xf32, #tpu.memory_space<hbm>>
    tpu.enqueue_dma source(%dma_start3A_24 : memref<128x128xf32, #tpu.memory_space<hbm>>) target(%arg9 : memref<128x128xf32, #tpu.memory_space<vmem>>) target_semaphore(%arg13 : memref<!tpu.dma_semaphore, #tpu.memory_space<semaphore_mem>>)
    %dma_wait3A_25 = arith.constant 0 : i32
    %dma_wait3A_26 = tpu.memref_slice %arg2[%add3A_11, %dma_wait3A_25] : memref<16384x128xf32, #tpu.memory_space<hbm>> -> memref<128x128xf32, #tpu.memory_space<hbm>>
    %dma_wait3A_27 = arith.constant 0 : i32
    %dma_wait3A_28 = tpu.memref_slice %arg2[%add3A_11, %dma_wait3A_27] : memref<16384x128xf32, #tpu.memory_space<hbm>> -> memref<128x128xf32, #tpu.memory_space<hbm>>
    tpu.wait_dma2 semaphore(%arg12 : memref<!tpu.dma_semaphore, #tpu.memory_space<semaphore_mem>>) src(%dma_wait3A_28 : memref<128x128xf32, #tpu.memory_space<hbm>>) dst(%arg8 : memref<128x128xf32, #tpu.memory_space<vmem>>)
    %run_scoped3A_29 = arith.constant 1 : i32
    "tpu.region"() ({
      %run_scoped3A_54 = tpu.sem_alloc : memref<!tpu.dma_semaphore, #tpu.memory_space<semaphore_mem>>
      %dma_start3A_55 = arith.constant 0 : i32
      %dma_start3A_56 = tpu.memref_slice %arg6[%run_scoped3A_29, %dma_start3A_55] : memref<4x128xi32, #tpu.memory_space<vmem>> -> memref<1x128xi32, #tpu.memory_space<vmem>>
      %dma_start3A_57 = tpu.memref_squeeze %dma_start3A_56 : memref<1x128xi32, #tpu.memory_space<vmem>> -> memref<128xi32, #tpu.memory_space<vmem>>
      %dma_start3A_58 = arith.constant 0 : i32
      %dma_start3A_59 = arith.constant 0 : i32
      %dma_start3A_60 = tpu.memref_slice %arg15[%dma_start3A_58, %dma_start3A_59] : memref<1024x128xf32, #tpu.memory_space<vmem_shared>> -> memref<1024x128xf32, #tpu.memory_space<vmem_shared>>
      tpu.enqueue_indirect_dma source(%arg8 : memref<128x128xf32, #tpu.memory_space<vmem>>) target(%dma_start3A_60 : memref<1024x128xf32, #tpu.memory_space<vmem_shared>>) offsets(%dma_start3A_57 : memref<128xi32, #tpu.memory_space<vmem>>) semaphore(%run_scoped3A_54 : memref<!tpu.dma_semaphore, #tpu.memory_space<semaphore_mem>>) {add = true}
      %dma_wait3A_61 = arith.constant 0 : i32
      %dma_wait3A_62 = tpu.memref_slice %arg6[%run_scoped3A_29, %dma_wait3A_61] : memref<4x128xi32, #tpu.memory_space<vmem>> -> memref<1x128xi32, #tpu.memory_space<vmem>>
      %dma_wait3A_63 = tpu.memref_squeeze %dma_wait3A_62 : memref<1x128xi32, #tpu.memory_space<vmem>> -> memref<128xi32, #tpu.memory_space<vmem>>
      %dma_wait3A_64 = arith.constant 0 : i32
      %dma_wait3A_65 = arith.constant 0 : i32
      %dma_wait3A_66 = tpu.memref_slice %arg15[%dma_wait3A_64, %dma_wait3A_65] : memref<1024x128xf32, #tpu.memory_space<vmem_shared>> -> memref<1024x128xf32, #tpu.memory_space<vmem_shared>>
      tpu.wait_indirect_dma semaphore(%run_scoped3A_54 : memref<!tpu.dma_semaphore, #tpu.memory_space<semaphore_mem>>) src(%arg8 : memref<128x128xf32, #tpu.memory_space<vmem>>) dst(%dma_wait3A_66 : memref<1024x128xf32, #tpu.memory_space<vmem_shared>>)
      tpu.yield
    }) : () -> ()
    %add3A_30 = arith.constant 384 : i32
    %add3A_31 = arith.addi %mul3A_6, %add3A_30 : i32
    %dma_start3A_32 = arith.constant 0 : i32
    %dma_start3A_33 = tpu.memref_slice %arg2[%add3A_31, %dma_start3A_32] : memref<16384x128xf32, #tpu.memory_space<hbm>> -> memref<128x128xf32, #tpu.memory_space<hbm>>
    %dma_start3A_34 = arith.constant 0 : i32
    %dma_start3A_35 = tpu.memref_slice %arg2[%add3A_31, %dma_start3A_34] : memref<16384x128xf32, #tpu.memory_space<hbm>> -> memref<128x128xf32, #tpu.memory_space<hbm>>
    tpu.enqueue_dma source(%dma_start3A_35 : memref<128x128xf32, #tpu.memory_space<hbm>>) target(%arg10 : memref<128x128xf32, #tpu.memory_space<vmem>>) target_semaphore(%arg14 : memref<!tpu.dma_semaphore, #tpu.memory_space<semaphore_mem>>)
    %dma_wait3A_36 = arith.constant 0 : i32
    %dma_wait3A_37 = tpu.memref_slice %arg2[%add3A_20, %dma_wait3A_36] : memref<16384x128xf32, #tpu.memory_space<hbm>> -> memref<128x128xf32, #tpu.memory_space<hbm>>
    %dma_wait3A_38 = arith.constant 0 : i32
    %dma_wait3A_39 = tpu.memref_slice %arg2[%add3A_20, %dma_wait3A_38] : memref<16384x128xf32, #tpu.memory_space<hbm>> -> memref<128x128xf32, #tpu.memory_space<hbm>>
    tpu.wait_dma2 semaphore(%arg13 : memref<!tpu.dma_semaphore, #tpu.memory_space<semaphore_mem>>) src(%dma_wait3A_39 : memref<128x128xf32, #tpu.memory_space<hbm>>) dst(%arg9 : memref<128x128xf32, #tpu.memory_space<vmem>>)
    %run_scoped3A_40 = arith.constant 2 : i32
    "tpu.region"() ({
      %run_scoped3A_54 = tpu.sem_alloc : memref<!tpu.dma_semaphore, #tpu.memory_space<semaphore_mem>>
      %dma_start3A_55 = arith.constant 0 : i32
      %dma_start3A_56 = tpu.memref_slice %arg6[%run_scoped3A_40, %dma_start3A_55] : memref<4x128xi32, #tpu.memory_space<vmem>> -> memref<1x128xi32, #tpu.memory_space<vmem>>
      %dma_start3A_57 = tpu.memref_squeeze %dma_start3A_56 : memref<1x128xi32, #tpu.memory_space<vmem>> -> memref<128xi32, #tpu.memory_space<vmem>>
      %dma_start3A_58 = arith.constant 0 : i32
      %dma_start3A_59 = arith.constant 0 : i32
      %dma_start3A_60 = tpu.memref_slice %arg15[%dma_start3A_58, %dma_start3A_59] : memref<1024x128xf32, #tpu.memory_space<vmem_shared>> -> memref<1024x128xf32, #tpu.memory_space<vmem_shared>>
      tpu.enqueue_indirect_dma source(%arg9 : memref<128x128xf32, #tpu.memory_space<vmem>>) target(%dma_start3A_60 : memref<1024x128xf32, #tpu.memory_space<vmem_shared>>) offsets(%dma_start3A_57 : memref<128xi32, #tpu.memory_space<vmem>>) semaphore(%run_scoped3A_54 : memref<!tpu.dma_semaphore, #tpu.memory_space<semaphore_mem>>) {add = true}
      %dma_wait3A_61 = arith.constant 0 : i32
      %dma_wait3A_62 = tpu.memref_slice %arg6[%run_scoped3A_40, %dma_wait3A_61] : memref<4x128xi32, #tpu.memory_space<vmem>> -> memref<1x128xi32, #tpu.memory_space<vmem>>
      %dma_wait3A_63 = tpu.memref_squeeze %dma_wait3A_62 : memref<1x128xi32, #tpu.memory_space<vmem>> -> memref<128xi32, #tpu.memory_space<vmem>>
      %dma_wait3A_64 = arith.constant 0 : i32
      %dma_wait3A_65 = arith.constant 0 : i32
      %dma_wait3A_66 = tpu.memref_slice %arg15[%dma_wait3A_64, %dma_wait3A_65] : memref<1024x128xf32, #tpu.memory_space<vmem_shared>> -> memref<1024x128xf32, #tpu.memory_space<vmem_shared>>
      tpu.wait_indirect_dma semaphore(%run_scoped3A_54 : memref<!tpu.dma_semaphore, #tpu.memory_space<semaphore_mem>>) src(%arg9 : memref<128x128xf32, #tpu.memory_space<vmem>>) dst(%dma_wait3A_66 : memref<1024x128xf32, #tpu.memory_space<vmem_shared>>)
      tpu.yield
    }) : () -> ()
    %dma_wait3A_41 = arith.constant 0 : i32
    %dma_wait3A_42 = tpu.memref_slice %arg2[%add3A_31, %dma_wait3A_41] : memref<16384x128xf32, #tpu.memory_space<hbm>> -> memref<128x128xf32, #tpu.memory_space<hbm>>
    %dma_wait3A_43 = arith.constant 0 : i32
    %dma_wait3A_44 = tpu.memref_slice %arg2[%add3A_31, %dma_wait3A_43] : memref<16384x128xf32, #tpu.memory_space<hbm>> -> memref<128x128xf32, #tpu.memory_space<hbm>>
    tpu.wait_dma2 semaphore(%arg14 : memref<!tpu.dma_semaphore, #tpu.memory_space<semaphore_mem>>) src(%dma_wait3A_44 : memref<128x128xf32, #tpu.memory_space<hbm>>) dst(%arg10 : memref<128x128xf32, #tpu.memory_space<vmem>>)
    %run_scoped3A_45 = arith.constant 3 : i32
    "tpu.region"() ({
      %run_scoped3A_54 = tpu.sem_alloc : memref<!tpu.dma_semaphore, #tpu.memory_space<semaphore_mem>>
      %dma_start3A_55 = arith.constant 0 : i32
      %dma_start3A_56 = tpu.memref_slice %arg6[%run_scoped3A_45, %dma_start3A_55] : memref<4x128xi32, #tpu.memory_space<vmem>> -> memref<1x128xi32, #tpu.memory_space<vmem>>
      %dma_start3A_57 = tpu.memref_squeeze %dma_start3A_56 : memref<1x128xi32, #tpu.memory_space<vmem>> -> memref<128xi32, #tpu.memory_space<vmem>>
      %dma_start3A_58 = arith.constant 0 : i32
      %dma_start3A_59 = arith.constant 0 : i32
      %dma_start3A_60 = tpu.memref_slice %arg15[%dma_start3A_58, %dma_start3A_59] : memref<1024x128xf32, #tpu.memory_space<vmem_shared>> -> memref<1024x128xf32, #tpu.memory_space<vmem_shared>>
      tpu.enqueue_indirect_dma source(%arg10 : memref<128x128xf32, #tpu.memory_space<vmem>>) target(%dma_start3A_60 : memref<1024x128xf32, #tpu.memory_space<vmem_shared>>) offsets(%dma_start3A_57 : memref<128xi32, #tpu.memory_space<vmem>>) semaphore(%run_scoped3A_54 : memref<!tpu.dma_semaphore, #tpu.memory_space<semaphore_mem>>) {add = true}
      %dma_wait3A_61 = arith.constant 0 : i32
      %dma_wait3A_62 = tpu.memref_slice %arg6[%run_scoped3A_45, %dma_wait3A_61] : memref<4x128xi32, #tpu.memory_space<vmem>> -> memref<1x128xi32, #tpu.memory_space<vmem>>
      %dma_wait3A_63 = tpu.memref_squeeze %dma_wait3A_62 : memref<1x128xi32, #tpu.memory_space<vmem>> -> memref<128xi32, #tpu.memory_space<vmem>>
      %dma_wait3A_64 = arith.constant 0 : i32
      %dma_wait3A_65 = arith.constant 0 : i32
      %dma_wait3A_66 = tpu.memref_slice %arg15[%dma_wait3A_64, %dma_wait3A_65] : memref<1024x128xf32, #tpu.memory_space<vmem_shared>> -> memref<1024x128xf32, #tpu.memory_space<vmem_shared>>
      tpu.wait_indirect_dma semaphore(%run_scoped3A_54 : memref<!tpu.dma_semaphore, #tpu.memory_space<semaphore_mem>>) src(%arg10 : memref<128x128xf32, #tpu.memory_space<vmem>>) dst(%dma_wait3A_66 : memref<1024x128xf32, #tpu.memory_space<vmem_shared>>)
      tpu.yield
    }) : () -> ()
    %barrier3A_46 = arith.constant 0 : index
    tpu.barrier barrier_id(%barrier3A_46)
    %mul3A_47 = arith.constant 64 : i32
    %mul3A_48 = arith.muli %arg1, %mul3A_47 : i32
    %mul3A_49 = arith.constant 1024 : i32
    %mul3A_50 = arith.muli %arg0, %mul3A_49 : i32
    %mul3A_51 = arith.constant 64 : i32
    %mul3A_52 = arith.muli %arg1, %mul3A_51 : i32
    %add3A_53 = arith.addi %mul3A_50, %mul3A_52 : i32
    "tpu.region"() ({
      %run_scoped3A_54 = tpu.sem_alloc : memref<!tpu.dma_semaphore, #tpu.memory_space<semaphore_mem>>
      %dma_start3A_55 = arith.constant 0 : i32
      %dma_start3A_56 = tpu.memref_slice %arg5[%add3A_53, %dma_start3A_55] : memref<2048x128xf32, #tpu.memory_space<hbm>> -> memref<64x128xf32, #tpu.memory_space<hbm>>
      %dma_start3A_57 = arith.constant 0 : i32
      %dma_start3A_58 = tpu.memref_slice %arg15[%mul3A_48, %dma_start3A_57] : memref<1024x128xf32, #tpu.memory_space<vmem_shared>> -> memref<64x128xf32, #tpu.memory_space<vmem_shared>>
      tpu.enqueue_dma source(%dma_start3A_58 : memref<64x128xf32, #tpu.memory_space<vmem_shared>>) target(%dma_start3A_56 : memref<64x128xf32, #tpu.memory_space<hbm>>) target_semaphore(%run_scoped3A_54 : memref<!tpu.dma_semaphore, #tpu.memory_space<semaphore_mem>>)
      %dma_wait3A_59 = arith.constant 0 : i32
      %dma_wait3A_60 = tpu.memref_slice %arg5[%add3A_53, %dma_wait3A_59] : memref<2048x128xf32, #tpu.memory_space<hbm>> -> memref<64x128xf32, #tpu.memory_space<hbm>>
      %dma_wait3A_61 = arith.constant 0 : i32
      %dma_wait3A_62 = tpu.memref_slice %arg15[%mul3A_48, %dma_wait3A_61] : memref<1024x128xf32, #tpu.memory_space<vmem_shared>> -> memref<64x128xf32, #tpu.memory_space<vmem_shared>>
      tpu.wait_dma2 semaphore(%run_scoped3A_54 : memref<!tpu.dma_semaphore, #tpu.memory_space<semaphore_mem>>) src(%dma_wait3A_62 : memref<64x128xf32, #tpu.memory_space<vmem_shared>>) dst(%dma_wait3A_60 : memref<64x128xf32, #tpu.memory_space<hbm>>)
      tpu.yield
    }) : () -> ()
    return
  }
}

#map = affine_map<(d0, d1) -> (0, 0)>
module attributes {stable_mosaic.version = 14 : i64} {
  func.func @_scatter_body(%arg0: i32, %arg1: i32, %arg2: memref<16384x128xf32, #tpu.memory_space<hbm>>, %arg3: memref<128x128xi32, #tpu.memory_space<hbm>>, %arg4: memref<1024x128xf32, #tpu.memory_space<hbm>>, %arg5: memref<2048x128xf32, #tpu.memory_space<hbm>>, %arg6: memref<4x128xi32, #tpu.memory_space<vmem>>, %arg7: memref<128x128xf32, #tpu.memory_space<vmem>>, %arg8: memref<128x128xf32, #tpu.memory_space<vmem>>, %arg9: memref<128x128xf32, #tpu.memory_space<vmem>>, %arg10: memref<128x128xf32, #tpu.memory_space<vmem>>, %arg11: memref<!tpu.dma_semaphore, #tpu.memory_space<semaphore_mem>>, %arg12: memref<!tpu.dma_semaphore, #tpu.memory_space<semaphore_mem>>, %arg13: memref<!tpu.dma_semaphore, #tpu.memory_space<semaphore_mem>>, %arg14: memref<!tpu.dma_semaphore, #tpu.memory_space<semaphore_mem>>, %arg15: memref<1024x128xf32, #tpu.memory_space<vmem_shared>>) attributes {dimension_semantics = [#tpu.dimension_semantics<core_parallel>, #tpu.dimension_semantics<subcore_parallel>], iteration_bounds = array<i64: 2, 16>, scalar_prefetch = 0 : i64, scratch_operands = 10 : i64, tpu.core_type = #tpu.core_type<sc_vector_subcore>, window_params = [{transform_indices = #map}, {transform_indices = #map}, {transform_indices = #map}, {transform_indices = #map}]} {
    %mul3A = arith.constant 2 : i32
    %mul3A_0 = arith.muli %arg1, %mul3A : i32
    %add3A = arith.addi %mul3A_0, %arg0 : i32
    %eq3A = arith.constant 0 : i32
    %eq3A_1 = arith.cmpi eq, %arg1, %eq3A : i32
    %convert_element_type3A = arith.extui %eq3A_1 : i1 to i32
    %cond3A = arith.constant 0 : i32
    %cond3A_2 = arith.cmpi ne, %convert_element_type3A, %cond3A : i32
    scf.if %cond3A_2 {
      "tpu.region"() ({
        %run_scoped3A_54 = tpu.sem_alloc : memref<!tpu.dma_semaphore, #tpu.memory_space<semaphore_mem>>
        tpu.enqueue_dma source(%arg4 : memref<1024x128xf32, #tpu.memory_space<hbm>>) target(%arg15 : memref<1024x128xf32, #tpu.memory_space<vmem_shared>>) target_semaphore(%run_scoped3A_54 : memref<!tpu.dma_semaphore, #tpu.memory_space<semaphore_mem>>)
        tpu.wait_dma2 semaphore(%run_scoped3A_54 : memref<!tpu.dma_semaphore, #tpu.memory_space<semaphore_mem>>) src(%arg4 : memref<1024x128xf32, #tpu.memory_space<hbm>>) dst(%arg15 : memref<1024x128xf32, #tpu.memory_space<vmem_shared>>)
        tpu.yield
      }) : () -> ()
    } else {
    }
    %mul3A_3 = arith.constant 4 : i32
    %mul3A_4 = arith.muli %add3A, %mul3A_3 : i32
    "tpu.region"() ({
      %run_scoped3A_54 = tpu.sem_alloc : memref<!tpu.dma_semaphore, #tpu.memory_space<semaphore_mem>>
      %dma_start3A_55 = arith.constant 0 : i32
      %dma_start3A_56 = tpu.memref_slice %arg3[%mul3A_4, %dma_start3A_55] : memref<128x128xi32, #tpu.memory_space<hbm>> -> memref<4x128xi32, #tpu.memory_space<hbm>>
      %dma_start3A_57 = arith.constant 0 : i32
      %dma_start3A_58 = tpu.memref_slice %arg3[%mul3A_4, %dma_start3A_57] : memref<128x128xi32, #tpu.memory_space<hbm>> -> memref<4x128xi32, #tpu.memory_space<hbm>>
      tpu.enqueue_dma source(%dma_start3A_58 : memref<4x128xi32, #tpu.memory_space<hbm>>) target(%arg6 : memref<4x128xi32, #tpu.memory_space<vmem>>) target_semaphore(%run_scoped3A_54 : memref<!tpu.dma_semaphore, #tpu.memory_space<semaphore_mem>>)
      %dma_wait3A_59 = arith.constant 0 : i32
      %dma_wait3A_60 = tpu.memref_slice %arg3[%mul3A_4, %dma_wait3A_59] : memref<128x128xi32, #tpu.memory_space<hbm>> -> memref<4x128xi32, #tpu.memory_space<hbm>>
      %dma_wait3A_61 = arith.constant 0 : i32
      %dma_wait3A_62 = tpu.memref_slice %arg3[%mul3A_4, %dma_wait3A_61] : memref<128x128xi32, #tpu.memory_space<hbm>> -> memref<4x128xi32, #tpu.memory_space<hbm>>
      tpu.wait_dma2 semaphore(%run_scoped3A_54 : memref<!tpu.dma_semaphore, #tpu.memory_space<semaphore_mem>>) src(%dma_wait3A_62 : memref<4x128xi32, #tpu.memory_space<hbm>>) dst(%arg6 : memref<4x128xi32, #tpu.memory_space<vmem>>)
      tpu.yield
    }) : () -> ()
    %mul3A_5 = arith.constant 512 : i32
    %mul3A_6 = arith.muli %add3A, %mul3A_5 : i32
    %dma_start3A = arith.constant 0 : i32
    %dma_start3A_7 = tpu.memref_slice %arg2[%mul3A_6, %dma_start3A] : memref<16384x128xf32, #tpu.memory_space<hbm>> -> memref<128x128xf32, #tpu.memory_space<hbm>>
    %dma_start3A_8 = arith.constant 0 : i32
    %dma_start3A_9 = tpu.memref_slice %arg2[%mul3A_6, %dma_start3A_8] : memref<16384x128xf32, #tpu.memory_space<hbm>> -> memref<128x128xf32, #tpu.memory_space<hbm>>
    tpu.enqueue_dma source(%dma_start3A_9 : memref<128x128xf32, #tpu.memory_space<hbm>>) target(%arg7 : memref<128x128xf32, #tpu.memory_space<vmem>>) target_semaphore(%arg11 : memref<!tpu.dma_semaphore, #tpu.memory_space<semaphore_mem>>)
    %barrier3A = arith.constant 0 : index
    tpu.barrier barrier_id(%barrier3A)
    %add3A_10 = arith.constant 128 : i32
    %add3A_11 = arith.addi %mul3A_6, %add3A_10 : i32
    %dma_start3A_12 = arith.constant 0 : i32
    %dma_start3A_13 = tpu.memref_slice %arg2[%add3A_11, %dma_start3A_12] : memref<16384x128xf32, #tpu.memory_space<hbm>> -> memref<128x128xf32, #tpu.memory_space<hbm>>
    %dma_start3A_14 = arith.constant 0 : i32
    %dma_start3A_15 = tpu.memref_slice %arg2[%add3A_11, %dma_start3A_14] : memref<16384x128xf32, #tpu.memory_space<hbm>> -> memref<128x128xf32, #tpu.memory_space<hbm>>
    tpu.enqueue_dma source(%dma_start3A_15 : memref<128x128xf32, #tpu.memory_space<hbm>>) target(%arg8 : memref<128x128xf32, #tpu.memory_space<vmem>>) target_semaphore(%arg12 : memref<!tpu.dma_semaphore, #tpu.memory_space<semaphore_mem>>)
    %dma_wait3A = arith.constant 0 : i32
    %dma_wait3A_16 = tpu.memref_slice %arg2[%mul3A_6, %dma_wait3A] : memref<16384x128xf32, #tpu.memory_space<hbm>> -> memref<128x128xf32, #tpu.memory_space<hbm>>
    %dma_wait3A_17 = arith.constant 0 : i32
    %dma_wait3A_18 = tpu.memref_slice %arg2[%mul3A_6, %dma_wait3A_17] : memref<16384x128xf32, #tpu.memory_space<hbm>> -> memref<128x128xf32, #tpu.memory_space<hbm>>
    tpu.wait_dma2 semaphore(%arg11 : memref<!tpu.dma_semaphore, #tpu.memory_space<semaphore_mem>>) src(%dma_wait3A_18 : memref<128x128xf32, #tpu.memory_space<hbm>>) dst(%arg7 : memref<128x128xf32, #tpu.memory_space<vmem>>)
    %run_scoped3A = arith.constant 0 : i32
    "tpu.region"() ({
      %run_scoped3A_54 = tpu.sem_alloc : memref<!tpu.dma_semaphore, #tpu.memory_space<semaphore_mem>>
      %dma_start3A_55 = arith.constant 0 : i32
      %dma_start3A_56 = tpu.memref_slice %arg6[%run_scoped3A, %dma_start3A_55] : memref<4x128xi32, #tpu.memory_space<vmem>> -> memref<1x128xi32, #tpu.memory_space<vmem>>
      %dma_start3A_57 = tpu.memref_squeeze %dma_start3A_56 : memref<1x128xi32, #tpu.memory_space<vmem>> -> memref<128xi32, #tpu.memory_space<vmem>>
      %dma_start3A_58 = arith.constant 0 : i32
      %dma_start3A_59 = arith.constant 0 : i32
      %dma_start3A_60 = tpu.memref_slice %arg15[%dma_start3A_58, %dma_start3A_59] : memref<1024x128xf32, #tpu.memory_space<vmem_shared>> -> memref<1024x128xf32, #tpu.memory_space<vmem_shared>>
      tpu.enqueue_indirect_dma source(%arg7 : memref<128x128xf32, #tpu.memory_space<vmem>>) target(%dma_start3A_60 : memref<1024x128xf32, #tpu.memory_space<vmem_shared>>) offsets(%dma_start3A_57 : memref<128xi32, #tpu.memory_space<vmem>>) semaphore(%run_scoped3A_54 : memref<!tpu.dma_semaphore, #tpu.memory_space<semaphore_mem>>) {add = true}
      %dma_wait3A_61 = arith.constant 0 : i32
      %dma_wait3A_62 = tpu.memref_slice %arg6[%run_scoped3A, %dma_wait3A_61] : memref<4x128xi32, #tpu.memory_space<vmem>> -> memref<1x128xi32, #tpu.memory_space<vmem>>
      %dma_wait3A_63 = tpu.memref_squeeze %dma_wait3A_62 : memref<1x128xi32, #tpu.memory_space<vmem>> -> memref<128xi32, #tpu.memory_space<vmem>>
      %dma_wait3A_64 = arith.constant 0 : i32
      %dma_wait3A_65 = arith.constant 0 : i32
      %dma_wait3A_66 = tpu.memref_slice %arg15[%dma_wait3A_64, %dma_wait3A_65] : memref<1024x128xf32, #tpu.memory_space<vmem_shared>> -> memref<1024x128xf32, #tpu.memory_space<vmem_shared>>
      tpu.wait_indirect_dma semaphore(%run_scoped3A_54 : memref<!tpu.dma_semaphore, #tpu.memory_space<semaphore_mem>>) src(%arg7 : memref<128x128xf32, #tpu.memory_space<vmem>>) dst(%dma_wait3A_66 : memref<1024x128xf32, #tpu.memory_space<vmem_shared>>)
      tpu.yield
    }) : () -> ()
    %add3A_19 = arith.constant 256 : i32
    %add3A_20 = arith.addi %mul3A_6, %add3A_19 : i32
    %dma_start3A_21 = arith.constant 0 : i32
    %dma_start3A_22 = tpu.memref_slice %arg2[%add3A_20, %dma_start3A_21] : memref<16384x128xf32, #tpu.memory_space<hbm>> -> memref<128x128xf32, #tpu.memory_space<hbm>>
    %dma_start3A_23 = arith.constant 0 : i32
    %dma_start3A_24 = tpu.memref_slice %arg2[%add3A_20, %dma_start3A_23] : memref<16384x128xf32, #tpu.memory_space<hbm>> -> memref<128x128xf32, #tpu.memory_space<hbm>>
    tpu.enqueue_dma source(%dma_start3A_24 : memref<128x128xf32, #tpu.memory_space<hbm>>) target(%arg9 : memref<128x128xf32, #tpu.memory_space<vmem>>) target_semaphore(%arg13 : memref<!tpu.dma_semaphore, #tpu.memory_space<semaphore_mem>>)
    %dma_wait3A_25 = arith.constant 0 : i32
    %dma_wait3A_26 = tpu.memref_slice %arg2[%add3A_11, %dma_wait3A_25] : memref<16384x128xf32, #tpu.memory_space<hbm>> -> memref<128x128xf32, #tpu.memory_space<hbm>>
    %dma_wait3A_27 = arith.constant 0 : i32
    %dma_wait3A_28 = tpu.memref_slice %arg2[%add3A_11, %dma_wait3A_27] : memref<16384x128xf32, #tpu.memory_space<hbm>> -> memref<128x128xf32, #tpu.memory_space<hbm>>
    tpu.wait_dma2 semaphore(%arg12 : memref<!tpu.dma_semaphore, #tpu.memory_space<semaphore_mem>>) src(%dma_wait3A_28 : memref<128x128xf32, #tpu.memory_space<hbm>>) dst(%arg8 : memref<128x128xf32, #tpu.memory_space<vmem>>)
    %run_scoped3A_29 = arith.constant 1 : i32
    "tpu.region"() ({
      %run_scoped3A_54 = tpu.sem_alloc : memref<!tpu.dma_semaphore, #tpu.memory_space<semaphore_mem>>
      %dma_start3A_55 = arith.constant 0 : i32
      %dma_start3A_56 = tpu.memref_slice %arg6[%run_scoped3A_29, %dma_start3A_55] : memref<4x128xi32, #tpu.memory_space<vmem>> -> memref<1x128xi32, #tpu.memory_space<vmem>>
      %dma_start3A_57 = tpu.memref_squeeze %dma_start3A_56 : memref<1x128xi32, #tpu.memory_space<vmem>> -> memref<128xi32, #tpu.memory_space<vmem>>
      %dma_start3A_58 = arith.constant 0 : i32
      %dma_start3A_59 = arith.constant 0 : i32
      %dma_start3A_60 = tpu.memref_slice %arg15[%dma_start3A_58, %dma_start3A_59] : memref<1024x128xf32, #tpu.memory_space<vmem_shared>> -> memref<1024x128xf32, #tpu.memory_space<vmem_shared>>
      tpu.enqueue_indirect_dma source(%arg8 : memref<128x128xf32, #tpu.memory_space<vmem>>) target(%dma_start3A_60 : memref<1024x128xf32, #tpu.memory_space<vmem_shared>>) offsets(%dma_start3A_57 : memref<128xi32, #tpu.memory_space<vmem>>) semaphore(%run_scoped3A_54 : memref<!tpu.dma_semaphore, #tpu.memory_space<semaphore_mem>>) {add = true}
      %dma_wait3A_61 = arith.constant 0 : i32
      %dma_wait3A_62 = tpu.memref_slice %arg6[%run_scoped3A_29, %dma_wait3A_61] : memref<4x128xi32, #tpu.memory_space<vmem>> -> memref<1x128xi32, #tpu.memory_space<vmem>>
      %dma_wait3A_63 = tpu.memref_squeeze %dma_wait3A_62 : memref<1x128xi32, #tpu.memory_space<vmem>> -> memref<128xi32, #tpu.memory_space<vmem>>
      %dma_wait3A_64 = arith.constant 0 : i32
      %dma_wait3A_65 = arith.constant 0 : i32
      %dma_wait3A_66 = tpu.memref_slice %arg15[%dma_wait3A_64, %dma_wait3A_65] : memref<1024x128xf32, #tpu.memory_space<vmem_shared>> -> memref<1024x128xf32, #tpu.memory_space<vmem_shared>>
      tpu.wait_indirect_dma semaphore(%run_scoped3A_54 : memref<!tpu.dma_semaphore, #tpu.memory_space<semaphore_mem>>) src(%arg8 : memref<128x128xf32, #tpu.memory_space<vmem>>) dst(%dma_wait3A_66 : memref<1024x128xf32, #tpu.memory_space<vmem_shared>>)
      tpu.yield
    }) : () -> ()
    %add3A_30 = arith.constant 384 : i32
    %add3A_31 = arith.addi %mul3A_6, %add3A_30 : i32
    %dma_start3A_32 = arith.constant 0 : i32
    %dma_start3A_33 = tpu.memref_slice %arg2[%add3A_31, %dma_start3A_32] : memref<16384x128xf32, #tpu.memory_space<hbm>> -> memref<128x128xf32, #tpu.memory_space<hbm>>
    %dma_start3A_34 = arith.constant 0 : i32
    %dma_start3A_35 = tpu.memref_slice %arg2[%add3A_31, %dma_start3A_34] : memref<16384x128xf32, #tpu.memory_space<hbm>> -> memref<128x128xf32, #tpu.memory_space<hbm>>
    tpu.enqueue_dma source(%dma_start3A_35 : memref<128x128xf32, #tpu.memory_space<hbm>>) target(%arg10 : memref<128x128xf32, #tpu.memory_space<vmem>>) target_semaphore(%arg14 : memref<!tpu.dma_semaphore, #tpu.memory_space<semaphore_mem>>)
    %dma_wait3A_36 = arith.constant 0 : i32
    %dma_wait3A_37 = tpu.memref_slice %arg2[%add3A_20, %dma_wait3A_36] : memref<16384x128xf32, #tpu.memory_space<hbm>> -> memref<128x128xf32, #tpu.memory_space<hbm>>
    %dma_wait3A_38 = arith.constant 0 : i32
    %dma_wait3A_39 = tpu.memref_slice %arg2[%add3A_20, %dma_wait3A_38] : memref<16384x128xf32, #tpu.memory_space<hbm>> -> memref<128x128xf32, #tpu.memory_space<hbm>>
    tpu.wait_dma2 semaphore(%arg13 : memref<!tpu.dma_semaphore, #tpu.memory_space<semaphore_mem>>) src(%dma_wait3A_39 : memref<128x128xf32, #tpu.memory_space<hbm>>) dst(%arg9 : memref<128x128xf32, #tpu.memory_space<vmem>>)
    %run_scoped3A_40 = arith.constant 2 : i32
    "tpu.region"() ({
      %run_scoped3A_54 = tpu.sem_alloc : memref<!tpu.dma_semaphore, #tpu.memory_space<semaphore_mem>>
      %dma_start3A_55 = arith.constant 0 : i32
      %dma_start3A_56 = tpu.memref_slice %arg6[%run_scoped3A_40, %dma_start3A_55] : memref<4x128xi32, #tpu.memory_space<vmem>> -> memref<1x128xi32, #tpu.memory_space<vmem>>
      %dma_start3A_57 = tpu.memref_squeeze %dma_start3A_56 : memref<1x128xi32, #tpu.memory_space<vmem>> -> memref<128xi32, #tpu.memory_space<vmem>>
      %dma_start3A_58 = arith.constant 0 : i32
      %dma_start3A_59 = arith.constant 0 : i32
      %dma_start3A_60 = tpu.memref_slice %arg15[%dma_start3A_58, %dma_start3A_59] : memref<1024x128xf32, #tpu.memory_space<vmem_shared>> -> memref<1024x128xf32, #tpu.memory_space<vmem_shared>>
      tpu.enqueue_indirect_dma source(%arg9 : memref<128x128xf32, #tpu.memory_space<vmem>>) target(%dma_start3A_60 : memref<1024x128xf32, #tpu.memory_space<vmem_shared>>) offsets(%dma_start3A_57 : memref<128xi32, #tpu.memory_space<vmem>>) semaphore(%run_scoped3A_54 : memref<!tpu.dma_semaphore, #tpu.memory_space<semaphore_mem>>) {add = true}
      %dma_wait3A_61 = arith.constant 0 : i32
      %dma_wait3A_62 = tpu.memref_slice %arg6[%run_scoped3A_40, %dma_wait3A_61] : memref<4x128xi32, #tpu.memory_space<vmem>> -> memref<1x128xi32, #tpu.memory_space<vmem>>
      %dma_wait3A_63 = tpu.memref_squeeze %dma_wait3A_62 : memref<1x128xi32, #tpu.memory_space<vmem>> -> memref<128xi32, #tpu.memory_space<vmem>>
      %dma_wait3A_64 = arith.constant 0 : i32
      %dma_wait3A_65 = arith.constant 0 : i32
      %dma_wait3A_66 = tpu.memref_slice %arg15[%dma_wait3A_64, %dma_wait3A_65] : memref<1024x128xf32, #tpu.memory_space<vmem_shared>> -> memref<1024x128xf32, #tpu.memory_space<vmem_shared>>
      tpu.wait_indirect_dma semaphore(%run_scoped3A_54 : memref<!tpu.dma_semaphore, #tpu.memory_space<semaphore_mem>>) src(%arg9 : memref<128x128xf32, #tpu.memory_space<vmem>>) dst(%dma_wait3A_66 : memref<1024x128xf32, #tpu.memory_space<vmem_shared>>)
      tpu.yield
    }) : () -> ()
    %dma_wait3A_41 = arith.constant 0 : i32
    %dma_wait3A_42 = tpu.memref_slice %arg2[%add3A_31, %dma_wait3A_41] : memref<16384x128xf32, #tpu.memory_space<hbm>> -> memref<128x128xf32, #tpu.memory_space<hbm>>
    %dma_wait3A_43 = arith.constant 0 : i32
    %dma_wait3A_44 = tpu.memref_slice %arg2[%add3A_31, %dma_wait3A_43] : memref<16384x128xf32, #tpu.memory_space<hbm>> -> memref<128x128xf32, #tpu.memory_space<hbm>>
    tpu.wait_dma2 semaphore(%arg14 : memref<!tpu.dma_semaphore, #tpu.memory_space<semaphore_mem>>) src(%dma_wait3A_44 : memref<128x128xf32, #tpu.memory_space<hbm>>) dst(%arg10 : memref<128x128xf32, #tpu.memory_space<vmem>>)
    %run_scoped3A_45 = arith.constant 3 : i32
    "tpu.region"() ({
      %run_scoped3A_54 = tpu.sem_alloc : memref<!tpu.dma_semaphore, #tpu.memory_space<semaphore_mem>>
      %dma_start3A_55 = arith.constant 0 : i32
      %dma_start3A_56 = tpu.memref_slice %arg6[%run_scoped3A_45, %dma_start3A_55] : memref<4x128xi32, #tpu.memory_space<vmem>> -> memref<1x128xi32, #tpu.memory_space<vmem>>
      %dma_start3A_57 = tpu.memref_squeeze %dma_start3A_56 : memref<1x128xi32, #tpu.memory_space<vmem>> -> memref<128xi32, #tpu.memory_space<vmem>>
      %dma_start3A_58 = arith.constant 0 : i32
      %dma_start3A_59 = arith.constant 0 : i32
      %dma_start3A_60 = tpu.memref_slice %arg15[%dma_start3A_58, %dma_start3A_59] : memref<1024x128xf32, #tpu.memory_space<vmem_shared>> -> memref<1024x128xf32, #tpu.memory_space<vmem_shared>>
      tpu.enqueue_indirect_dma source(%arg10 : memref<128x128xf32, #tpu.memory_space<vmem>>) target(%dma_start3A_60 : memref<1024x128xf32, #tpu.memory_space<vmem_shared>>) offsets(%dma_start3A_57 : memref<128xi32, #tpu.memory_space<vmem>>) semaphore(%run_scoped3A_54 : memref<!tpu.dma_semaphore, #tpu.memory_space<semaphore_mem>>) {add = true}
      %dma_wait3A_61 = arith.constant 0 : i32
      %dma_wait3A_62 = tpu.memref_slice %arg6[%run_scoped3A_45, %dma_wait3A_61] : memref<4x128xi32, #tpu.memory_space<vmem>> -> memref<1x128xi32, #tpu.memory_space<vmem>>
      %dma_wait3A_63 = tpu.memref_squeeze %dma_wait3A_62 : memref<1x128xi32, #tpu.memory_space<vmem>> -> memref<128xi32, #tpu.memory_space<vmem>>
      %dma_wait3A_64 = arith.constant 0 : i32
      %dma_wait3A_65 = arith.constant 0 : i32
      %dma_wait3A_66 = tpu.memref_slice %arg15[%dma_wait3A_64, %dma_wait3A_65] : memref<1024x128xf32, #tpu.memory_space<vmem_shared>> -> memref<1024x128xf32, #tpu.memory_space<vmem_shared>>
      tpu.wait_indirect_dma semaphore(%run_scoped3A_54 : memref<!tpu.dma_semaphore, #tpu.memory_space<semaphore_mem>>) src(%arg10 : memref<128x128xf32, #tpu.memory_space<vmem>>) dst(%dma_wait3A_66 : memref<1024x128xf32, #tpu.memory_space<vmem_shared>>)
      tpu.yield
    }) : () -> ()
    %barrier3A_46 = arith.constant 0 : index
    tpu.barrier barrier_id(%barrier3A_46)
    %mul3A_47 = arith.constant 64 : i32
    %mul3A_48 = arith.muli %arg1, %mul3A_47 : i32
    %mul3A_49 = arith.constant 1024 : i32
    %mul3A_50 = arith.muli %arg0, %mul3A_49 : i32
    %mul3A_51 = arith.constant 64 : i32
    %mul3A_52 = arith.muli %arg1, %mul3A_51 : i32
    %add3A_53 = arith.addi %mul3A_50, %mul3A_52 : i32
    "tpu.region"() ({
      %run_scoped3A_54 = tpu.sem_alloc : memref<!tpu.dma_semaphore, #tpu.memory_space<semaphore_mem>>
      %dma_start3A_55 = arith.constant 0 : i32
      %dma_start3A_56 = tpu.memref_slice %arg5[%add3A_53, %dma_start3A_55] : memref<2048x128xf32, #tpu.memory_space<hbm>> -> memref<64x128xf32, #tpu.memory_space<hbm>>
      %dma_start3A_57 = arith.constant 0 : i32
      %dma_start3A_58 = tpu.memref_slice %arg15[%mul3A_48, %dma_start3A_57] : memref<1024x128xf32, #tpu.memory_space<vmem_shared>> -> memref<64x128xf32, #tpu.memory_space<vmem_shared>>
      tpu.enqueue_dma source(%dma_start3A_58 : memref<64x128xf32, #tpu.memory_space<vmem_shared>>) target(%dma_start3A_56 : memref<64x128xf32, #tpu.memory_space<hbm>>) target_semaphore(%run_scoped3A_54 : memref<!tpu.dma_semaphore, #tpu.memory_space<semaphore_mem>>)
      %dma_wait3A_59 = arith.constant 0 : i32
      %dma_wait3A_60 = tpu.memref_slice %arg5[%add3A_53, %dma_wait3A_59] : memref<2048x128xf32, #tpu.memory_space<hbm>> -> memref<64x128xf32, #tpu.memory_space<hbm>>
      %dma_wait3A_61 = arith.constant 0 : i32
      %dma_wait3A_62 = tpu.memref_slice %arg15[%mul3A_48, %dma_wait3A_61] : memref<1024x128xf32, #tpu.memory_space<vmem_shared>> -> memref<64x128xf32, #tpu.memory_space<vmem_shared>>
      tpu.wait_dma2 semaphore(%run_scoped3A_54 : memref<!tpu.dma_semaphore, #tpu.memory_space<semaphore_mem>>) src(%dma_wait3A_62 : memref<64x128xf32, #tpu.memory_space<vmem_shared>>) dst(%dma_wait3A_60 : memref<64x128xf32, #tpu.memory_space<hbm>>)
      tpu.yield
    }) : () -> ()
    return
  }
}

module attributes {stable_mosaic.version = 14 : i64} {
  func.func @_phase1_body(%arg0: i32, %arg1: memref<2048x128xf32, #tpu.memory_space<vmem>>, %arg2: memref<1024x128xbf16, #tpu.memory_space<vmem>>, %arg3: memref<2048x128xf32, #tpu.memory_space<vmem>>, %arg4: memref<1x1x2048xi32, #tpu.memory_space<vmem>>, %arg5: memref<1024x1xf32, #tpu.memory_space<vmem>>, %arg6: memref<1024x1xf32, #tpu.memory_space<vmem>>) attributes {dimension_semantics = [#tpu.dimension_semantics<arbitrary>], iteration_bounds = array<i64: 8>, scalar_prefetch = 0 : i64, scratch_operands = 1 : i64, tpu.core_type = #tpu.core_type<tc>, window_params = [{transform_indices = @transform_0, window_bounds = array<i64: 2048, 128>}, {pipeline_mode = #tpu.pipeline_mode<synchronous>, transform_indices = @transform_1, window_bounds = array<i64: 1024, 128>}, {transform_indices = @transform_2, window_bounds = array<i64: 2048, 128>}, {transform_indices = @transform_3, window_bounds = array<i64: 1, 1, 2048>}, {pipeline_mode = #tpu.pipeline_mode<synchronous>, transform_indices = @transform_4, window_bounds = array<i64: 1024, 1>}]} {
    %get3A = arith.constant 0 : index
    %get3A_0 = arith.constant 0 : index
    %get3A_1 = vector.load %arg1[%get3A, %get3A_0] : memref<2048x128xf32, #tpu.memory_space<vmem>>, vector<2048x128xf32>
    %mul3A = arith.mulf %get3A_1, %get3A_1 : vector<2048x128xf32>
    %reduce_sum3A = arith.constant dense<0.000000e+00> : vector<2048xf32>
    %reduce_sum3A_2 = vector.multi_reduction <add>, %mul3A, %reduce_sum3A [1] : vector<2048x128xf32> to vector<2048xf32>
    %broadcast_in_dim3A = vector.shape_cast %reduce_sum3A_2 : vector<2048xf32> to vector<2048x1xf32>
    %add3A = arith.constant 1.000000e-24 : f32
    %add3A_3 = vector.broadcast %add3A : f32 to vector<2048x1xf32>
    %add3A_4 = arith.addf %broadcast_in_dim3A, %add3A_3 : vector<2048x1xf32>
    %rsqrt3A = math.rsqrt %add3A_4 : vector<2048x1xf32>
    %mul3A_5 = vector.broadcast %rsqrt3A : vector<2048x1xf32> to vector<2048x128xf32>
    %mul3A_6 = arith.mulf %get3A_1, %mul3A_5 : vector<2048x128xf32>
    %get3A_7 = arith.constant 0 : index
    %get3A_8 = arith.constant 0 : index
    %get3A_9 = vector.load %arg2[%get3A_7, %get3A_8] : memref<1024x128xbf16, #tpu.memory_space<vmem>>, vector<1024x128xbf16>
    %convert_element_type3A = arith.truncf %mul3A_6 : vector<2048x128xf32> to vector<2048x128xbf16>
    %dot_general3A = arith.constant dense<0.000000e+00> : vector<1024x2048xf32>
    %dot_general3A_10 = tpu.matmul %get3A_9, %convert_element_type3A, %dot_general3A {dimension_numbers = #tpu.dot_dimension_numbers<[1], [1], [0], [0], [0, 0, 1, 0], [], []>, transpose_lhs_hint = false} : vector<1024x128xbf16>, vector<2048x128xbf16>, vector<1024x2048xf32> -> vector<1024x2048xf32>
    %iota3A = tpu.iota {dimensions = array<i32: 0>} : vector<1024x1xi32>
    %lt3A = arith.constant 1000 : i32
    %lt3A_11 = vector.broadcast %lt3A : i32 to vector<1024x1xi32>
    %lt3A_12 = arith.cmpi slt, %iota3A, %lt3A_11 : vector<1024x1xi32>
    %jit3A = arith.constant 3.200000e+01 : f32
    %jit3A_13 = arith.constant 0xFF800000 : f32
    %broadcast_in_dim3A_14 = vector.broadcast %jit3A : f32 to vector<1024x1xf32>
    %broadcast_in_dim3A_15 = vector.broadcast %jit3A_13 : f32 to vector<1024x1xf32>
    %select_n3A = arith.select %lt3A_12, %broadcast_in_dim3A_14, %broadcast_in_dim3A_15 : vector<1024x1xi1>, vector<1024x1xf32>
    %lt3A_16 = arith.constant 1000 : i32
    %lt3A_17 = vector.broadcast %lt3A_16 : i32 to vector<1024x1xi32>
    %lt3A_18 = arith.cmpi slt, %iota3A, %lt3A_17 : vector<1024x1xi32>
    %sub3A = arith.constant 1023 : i32
    %sub3A_19 = vector.broadcast %sub3A : i32 to vector<1024x1xi32>
    %sub3A_20 = arith.subi %sub3A_19, %iota3A : vector<1024x1xi32>
    %jit3A_21 = arith.constant 0 : i32
    %broadcast_in_dim3A_22 = vector.broadcast %jit3A_21 : i32 to vector<1024x1xi32>
    %select_n3A_23 = arith.select %lt3A_18, %sub3A_20, %broadcast_in_dim3A_22 : vector<1024x1xi1>, vector<1024x1xi32>
    %add3A_24 = vector.broadcast %select_n3A : vector<1024x1xf32> to vector<1024x2048xf32>
    %add3A_25 = arith.addf %dot_general3A_10, %add3A_24 : vector<1024x2048xf32>
    %bitcast_convert_type3A = tpu.bitcast %add3A_25 : vector<1024x2048xf32> -> vector<1024x2048xi32>
    %and3A = arith.constant -1024 : i32
    %and3A_26 = vector.broadcast %and3A : i32 to vector<1024x2048xi32>
    %and3A_27 = arith.andi %bitcast_convert_type3A, %and3A_26 : vector<1024x2048xi32>
    %or3A = vector.broadcast %select_n3A_23 : vector<1024x1xi32> to vector<1024x2048xi32>
    %or3A_28 = arith.ori %and3A_27, %or3A : vector<1024x2048xi32>
    %bitcast_convert_type3A_29 = tpu.bitcast %or3A_28 : vector<1024x2048xi32> -> vector<1024x2048xf32>
    %reduce_max3A = arith.constant dense<0xFF800000> : vector<2048xf32>
    %reduce_max3A_30 = vector.multi_reduction <maximumf>, %bitcast_convert_type3A_29, %reduce_max3A [0] : vector<1024x2048xf32> to vector<2048xf32>
    %broadcast_in_dim3A_31 = vector.shape_cast %reduce_max3A_30 : vector<2048xf32> to vector<1x2048xf32>
    %reduce_max3A_32 = arith.constant dense<0xFF800000> : vector<1024xf32>
    %reduce_max3A_33 = vector.multi_reduction <maximumf>, %add3A_25, %reduce_max3A_32 [1] : vector<1024x2048xf32> to vector<1024xf32>
    %broadcast_in_dim3A_34 = vector.shape_cast %reduce_max3A_33 : vector<1024xf32> to vector<1024x1xf32>
    %bitcast_convert_type3A_35 = tpu.bitcast %broadcast_in_dim3A_31 : vector<1x2048xf32> -> vector<1x2048xi32>
    %and3A_36 = arith.constant 1023 : i32
    %and3A_37 = vector.broadcast %and3A_36 : i32 to vector<1x2048xi32>
    %and3A_38 = arith.andi %bitcast_convert_type3A_35, %and3A_37 : vector<1x2048xi32>
    %sub3A_39 = arith.constant 1023 : i32
    %sub3A_40 = vector.broadcast %sub3A_39 : i32 to vector<1x2048xi32>
    %sub3A_41 = arith.subi %sub3A_40, %and3A_38 : vector<1x2048xi32>
    %and3A_42 = arith.constant -1024 : i32
    %and3A_43 = vector.broadcast %and3A_42 : i32 to vector<1x2048xi32>
    %and3A_44 = arith.andi %bitcast_convert_type3A_35, %and3A_43 : vector<1x2048xi32>
    %bitcast_convert_type3A_45 = tpu.bitcast %and3A_44 : vector<1x2048xi32> -> vector<1x2048xf32>
    %exp3A = math.exp %bitcast_convert_type3A_45 : vector<1x2048xf32>
    %broadcast_in_dim3A_46 = vector.shape_cast %exp3A : vector<1x2048xf32> to vector<1x2048xf32>
    %broadcast_in_dim3A_47 = vector.broadcast %broadcast_in_dim3A_46 : vector<1x2048xf32> to vector<128x2048xf32>
    %transpose3A = tpu.transpose %broadcast_in_dim3A_47, [1, 0] : vector<128x2048xf32> -> vector<2048x128xf32>
    %mul3A_48 = arith.mulf %mul3A_6, %transpose3A : vector<2048x128xf32>
    %swap3A = arith.constant 0 : index
    %swap3A_49 = arith.constant 0 : index
    %swap3A_50 = vector.load %arg3[%swap3A, %swap3A_49] : memref<2048x128xf32, #tpu.memory_space<vmem>>, vector<2048x128xf32>
    tpu.vector_store %arg3[%swap3A, %swap3A_49], %mul3A_48 {strides = array<i32>} : memref<2048x128xf32, #tpu.memory_space<vmem>>, vector<2048x128xf32>,
    %reshape3A = vector.shape_cast %sub3A_41 : vector<1x2048xi32> to vector<1x1x2048xi32>
    %swap3A_51 = arith.constant 0 : index
    %swap3A_52 = arith.constant 0 : index
    %swap3A_53 = arith.constant 0 : index
    %swap3A_54 = vector.load %arg4[%swap3A_51, %swap3A_52, %swap3A_53] : memref<1x1x2048xi32, #tpu.memory_space<vmem>>, vector<1x1x2048xi32>
    tpu.vector_store %arg4[%swap3A_51, %swap3A_52, %swap3A_53], %reshape3A {strides = array<i32>} : memref<1x1x2048xi32, #tpu.memory_space<vmem>>, vector<1x1x2048xi32>,
    %eq3A = arith.constant 0 : i32
    %eq3A_55 = arith.cmpi eq, %arg0, %eq3A : i32
    %convert_element_type3A_56 = arith.extui %eq3A_55 : i1 to i32
    %cond3A = arith.constant 0 : i32
    %cond3A_57 = arith.cmpi ne, %convert_element_type3A_56, %cond3A : i32
    scf.if %cond3A_57 {
      %swap3A_67 = arith.constant 0 : index
      %swap3A_68 = arith.constant 0 : index
      %swap3A_69 = vector.load %arg6[%swap3A_67, %swap3A_68] : memref<1024x1xf32, #tpu.memory_space<vmem>>, vector<1024x1xf32>
      tpu.vector_store %arg6[%swap3A_67, %swap3A_68], %broadcast_in_dim3A_34 {strides = array<i32>} : memref<1024x1xf32, #tpu.memory_space<vmem>>, vector<1024x1xf32>,
    } else {
    }
    %gt3A = arith.constant 0 : i32
    %gt3A_58 = arith.cmpi sgt, %arg0, %gt3A : i32
    %convert_element_type3A_59 = arith.extui %gt3A_58 : i1 to i32
    %cond3A_60 = arith.constant 0 : i32
    %cond3A_61 = arith.cmpi ne, %convert_element_type3A_59, %cond3A_60 : i32
    scf.if %cond3A_61 {
      %get3A_67 = arith.constant 0 : index
      %get3A_68 = arith.constant 0 : index
      %get3A_69 = vector.load %arg6[%get3A_67, %get3A_68] : memref<1024x1xf32, #tpu.memory_space<vmem>>, vector<1024x1xf32>
      %max3A = arith.maximumf %get3A_69, %broadcast_in_dim3A_34 : vector<1024x1xf32>
      %swap3A_70 = arith.constant 0 : index
      %swap3A_71 = arith.constant 0 : index
      %swap3A_72 = vector.load %arg6[%swap3A_70, %swap3A_71] : memref<1024x1xf32, #tpu.memory_space<vmem>>, vector<1024x1xf32>
      tpu.vector_store %arg6[%swap3A_70, %swap3A_71], %max3A {strides = array<i32>} : memref<1024x1xf32, #tpu.memory_space<vmem>>, vector<1024x1xf32>,
    } else {
    }
    %eq3A_62 = arith.constant 7 : i32
    %eq3A_63 = arith.cmpi eq, %arg0, %eq3A_62 : i32
    %convert_element_type3A_64 = arith.extui %eq3A_63 : i1 to i32
    %cond3A_65 = arith.constant 0 : i32
    %cond3A_66 = arith.cmpi ne, %convert_element_type3A_64, %cond3A_65 : i32
    scf.if %cond3A_66 {
      %get3A_67 = arith.constant 0 : index
      %get3A_68 = arith.constant 0 : index
      %get3A_69 = vector.load %arg6[%get3A_67, %get3A_68] : memref<1024x1xf32, #tpu.memory_space<vmem>>, vector<1024x1xf32>
      %swap3A_70 = arith.constant 0 : index
      %swap3A_71 = arith.constant 0 : index
      %swap3A_72 = vector.load %arg5[%swap3A_70, %swap3A_71] : memref<1024x1xf32, #tpu.memory_space<vmem>>, vector<1024x1xf32>
      tpu.vector_store %arg5[%swap3A_70, %swap3A_71], %get3A_69 {strides = array<i32>} : memref<1024x1xf32, #tpu.memory_space<vmem>>, vector<1024x1xf32>,
    } else {
    }
    return
  }
  func.func @transform_0(%arg0: i32) -> (i32, i32) {
    %add3A = arith.constant 8 : i32
    %add3A_0 = arith.addi %add3A, %arg0 : i32
    %c0_i32 = arith.constant 0 : i32
    %c0_i32_1 = arith.constant 0 : i32
    return %add3A_0, %c0_i32 : i32, i32
  }
  func.func @transform_1(%arg0: i32) -> (i32, i32) {
    %c0_i32 = arith.constant 0 : i32
    %c0_i32_0 = arith.constant 0 : i32
    %c0_i32_1 = arith.constant 0 : i32
    return %c0_i32, %c0_i32_0 : i32, i32
  }
  func.func @transform_2(%arg0: i32) -> (i32, i32) {
    %c0_i32 = arith.constant 0 : i32
    %c0_i32_0 = arith.constant 0 : i32
    return %arg0, %c0_i32 : i32, i32
  }
  func.func @transform_3(%arg0: i32) -> (i32, i32, i32) {
    %c0_i32 = arith.constant 0 : i32
    %c0_i32_0 = arith.constant 0 : i32
    %c0_i32_1 = arith.constant 0 : i32
    return %arg0, %c0_i32, %c0_i32_0 : i32, i32, i32
  }
  func.func @transform_4(%arg0: i32) -> (i32, i32) {
    %c0_i32 = arith.constant 0 : i32
    %c0_i32_0 = arith.constant 0 : i32
    %c0_i32_1 = arith.constant 0 : i32
    return %c0_i32, %c0_i32_0 : i32, i32
  }
}

module attributes {stable_mosaic.version = 14 : i64} {
  func.func @_finalize_body(%arg0: memref<1000x128xf32, #tpu.memory_space<vmem>>, %arg1: memref<2048x128xf32, #tpu.memory_space<vmem>>, %arg2: memref<2048x128xf32, #tpu.memory_space<vmem>>, %arg3: memref<1024x1xf32, #tpu.memory_space<vmem>>, %arg4: memref<1024x1xf32, #tpu.memory_space<vmem>>, %arg5: memref<1000x128xf32, #tpu.memory_space<vmem>>) attributes {dimension_semantics = [], scalar_prefetch = 0 : i64, scratch_operands = 0 : i64, tpu.core_type = #tpu.core_type<tc>} {
    %get3A = arith.constant 0 : index
    %get3A_0 = arith.constant 0 : index
    %get3A_1 = vector.load %arg1[%get3A, %get3A_0] : memref<2048x128xf32, #tpu.memory_space<vmem>>, vector<1024x128xf32>
    %get3A_2 = arith.constant 1024 : index
    %get3A_3 = arith.constant 0 : index
    %get3A_4 = vector.load %arg1[%get3A_2, %get3A_3] : memref<2048x128xf32, #tpu.memory_space<vmem>>, vector<1024x128xf32>
    %add3A = arith.addf %get3A_1, %get3A_4 : vector<1024x128xf32>
    %get3A_5 = arith.constant 0 : index
    %get3A_6 = arith.constant 0 : index
    %get3A_7 = vector.load %arg3[%get3A_5, %get3A_6] : memref<1024x1xf32, #tpu.memory_space<vmem>>, vector<1024x1xf32>
    %get3A_8 = arith.constant 0 : index
    %get3A_9 = arith.constant 0 : index
    %get3A_10 = vector.load %arg2[%get3A_8, %get3A_9] : memref<2048x128xf32, #tpu.memory_space<vmem>>, vector<1024x128xf32>
    %add3A_11 = arith.addf %add3A, %get3A_10 : vector<1024x128xf32>
    %get3A_12 = arith.constant 1024 : index
    %get3A_13 = arith.constant 0 : index
    %get3A_14 = vector.load %arg2[%get3A_12, %get3A_13] : memref<2048x128xf32, #tpu.memory_space<vmem>>, vector<1024x128xf32>
    %add3A_15 = arith.addf %add3A_11, %get3A_14 : vector<1024x128xf32>
    %get3A_16 = arith.constant 0 : index
    %get3A_17 = arith.constant 0 : index
    %get3A_18 = vector.load %arg4[%get3A_16, %get3A_17] : memref<1024x1xf32, #tpu.memory_space<vmem>>, vector<1024x1xf32>
    %max3A = arith.maximumf %get3A_7, %get3A_18 : vector<1024x1xf32>
    %slice3A = vector.extract_strided_slice %add3A_15 {offsets = [0, 0], sizes = [1000, 128], strides = [1, 1]} : vector<1024x128xf32> to vector<1000x128xf32>
    %slice3A_19 = vector.extract_strided_slice %max3A {offsets = [0, 0], sizes = [1000, 1], strides = [1, 1]} : vector<1024x1xf32> to vector<1000x1xf32>
    %neg3A = arith.constant 0.000000e+00 : f32
    %neg3A_20 = vector.broadcast %neg3A : f32 to vector<1000x1xf32>
    %neg3A_21 = arith.subf %neg3A_20, %slice3A_19 : vector<1000x1xf32>
    %exp3A = math.exp %neg3A_21 : vector<1000x1xf32>
    %mul3A = vector.broadcast %exp3A : vector<1000x1xf32> to vector<1000x128xf32>
    %mul3A_22 = arith.mulf %slice3A, %mul3A : vector<1000x128xf32>
    %mul3A_23 = arith.constant 9.99999974E-6 : f32
    %mul3A_24 = vector.broadcast %mul3A_23 : f32 to vector<1000x128xf32>
    %mul3A_25 = arith.mulf %mul3A_24, %mul3A_22 : vector<1000x128xf32>
    %get3A_26 = arith.constant 0 : index
    %get3A_27 = arith.constant 0 : index
    %get3A_28 = vector.load %arg0[%get3A_26, %get3A_27] : memref<1000x128xf32, #tpu.memory_space<vmem>>, vector<1000x128xf32>
    %add3A_29 = arith.addf %mul3A_25, %get3A_28 : vector<1000x128xf32>
    %mul3A_30 = arith.mulf %add3A_29, %add3A_29 : vector<1000x128xf32>
    %reduce_sum3A = arith.constant dense<0.000000e+00> : vector<1000xf32>
    %reduce_sum3A_31 = vector.multi_reduction <add>, %mul3A_30, %reduce_sum3A [1] : vector<1000x128xf32> to vector<1000xf32>
    %broadcast_in_dim3A = vector.shape_cast %reduce_sum3A_31 : vector<1000xf32> to vector<1000x1xf32>
    %sqrt3A = math.sqrt %broadcast_in_dim3A : vector<1000x1xf32>
    %max3A_32 = arith.constant 9.99999996E-13 : f32
    %max3A_33 = vector.broadcast %max3A_32 : f32 to vector<1000x1xf32>
    %max3A_34 = arith.maximumf %sqrt3A, %max3A_33 : vector<1000x1xf32>
    %div3A = vector.broadcast %max3A_34 : vector<1000x1xf32> to vector<1000x128xf32>
    %div3A_35 = arith.divf %add3A_29, %div3A : vector<1000x128xf32>
    %swap3A = arith.constant 0 : index
    %swap3A_36 = arith.constant 0 : index
    %swap3A_37 = vector.load %arg5[%swap3A, %swap3A_36] : memref<1000x128xf32, #tpu.memory_space<vmem>>, vector<1000x128xf32>
    tpu.vector_store %arg5[%swap3A, %swap3A_36], %div3A_35 {strides = array<i32>} : memref<1000x128xf32, #tpu.memory_space<vmem>>, vector<1000x128xf32>,
    return
  }
}

module attributes {stable_mosaic.version = 14 : i64} {
  func.func @_phase1_body(%arg0: i32, %arg1: memref<2048x128xf32, #tpu.memory_space<vmem>>, %arg2: memref<1024x128xbf16, #tpu.memory_space<vmem>>, %arg3: memref<2048x128xf32, #tpu.memory_space<vmem>>, %arg4: memref<1x1x2048xi32, #tpu.memory_space<vmem>>, %arg5: memref<1024x1xf32, #tpu.memory_space<vmem>>, %arg6: memref<1024x1xf32, #tpu.memory_space<vmem>>) attributes {dimension_semantics = [#tpu.dimension_semantics<arbitrary>], iteration_bounds = array<i64: 8>, scalar_prefetch = 0 : i64, scratch_operands = 1 : i64, tpu.core_type = #tpu.core_type<tc>, window_params = [{transform_indices = @transform_0, window_bounds = array<i64: 2048, 128>}, {pipeline_mode = #tpu.pipeline_mode<synchronous>, transform_indices = @transform_1, window_bounds = array<i64: 1024, 128>}, {transform_indices = @transform_2, window_bounds = array<i64: 2048, 128>}, {transform_indices = @transform_3, window_bounds = array<i64: 1, 1, 2048>}, {pipeline_mode = #tpu.pipeline_mode<synchronous>, transform_indices = @transform_4, window_bounds = array<i64: 1024, 1>}]} {
    %get3A = arith.constant 0 : index
    %get3A_0 = arith.constant 0 : index
    %get3A_1 = vector.load %arg1[%get3A, %get3A_0] : memref<2048x128xf32, #tpu.memory_space<vmem>>, vector<2048x128xf32>
    %mul3A = arith.mulf %get3A_1, %get3A_1 : vector<2048x128xf32>
    %reduce_sum3A = arith.constant dense<0.000000e+00> : vector<2048xf32>
    %reduce_sum3A_2 = vector.multi_reduction <add>, %mul3A, %reduce_sum3A [1] : vector<2048x128xf32> to vector<2048xf32>
    %broadcast_in_dim3A = vector.shape_cast %reduce_sum3A_2 : vector<2048xf32> to vector<2048x1xf32>
    %add3A = arith.constant 1.000000e-24 : f32
    %add3A_3 = vector.broadcast %add3A : f32 to vector<2048x1xf32>
    %add3A_4 = arith.addf %broadcast_in_dim3A, %add3A_3 : vector<2048x1xf32>
    %rsqrt3A = math.rsqrt %add3A_4 : vector<2048x1xf32>
    %mul3A_5 = vector.broadcast %rsqrt3A : vector<2048x1xf32> to vector<2048x128xf32>
    %mul3A_6 = arith.mulf %get3A_1, %mul3A_5 : vector<2048x128xf32>
    %get3A_7 = arith.constant 0 : index
    %get3A_8 = arith.constant 0 : index
    %get3A_9 = vector.load %arg2[%get3A_7, %get3A_8] : memref<1024x128xbf16, #tpu.memory_space<vmem>>, vector<1024x128xbf16>
    %convert_element_type3A = arith.truncf %mul3A_6 : vector<2048x128xf32> to vector<2048x128xbf16>
    %dot_general3A = arith.constant dense<0.000000e+00> : vector<1024x2048xf32>
    %dot_general3A_10 = tpu.matmul %get3A_9, %convert_element_type3A, %dot_general3A {dimension_numbers = #tpu.dot_dimension_numbers<[1], [1], [0], [0], [0, 0, 1, 0], [], []>, transpose_lhs_hint = false} : vector<1024x128xbf16>, vector<2048x128xbf16>, vector<1024x2048xf32> -> vector<1024x2048xf32>
    %iota3A = tpu.iota {dimensions = array<i32: 0>} : vector<1024x1xi32>
    %lt3A = arith.constant 1000 : i32
    %lt3A_11 = vector.broadcast %lt3A : i32 to vector<1024x1xi32>
    %lt3A_12 = arith.cmpi slt, %iota3A, %lt3A_11 : vector<1024x1xi32>
    %jit3A = arith.constant 3.200000e+01 : f32
    %jit3A_13 = arith.constant 0xFF800000 : f32
    %broadcast_in_dim3A_14 = vector.broadcast %jit3A : f32 to vector<1024x1xf32>
    %broadcast_in_dim3A_15 = vector.broadcast %jit3A_13 : f32 to vector<1024x1xf32>
    %select_n3A = arith.select %lt3A_12, %broadcast_in_dim3A_14, %broadcast_in_dim3A_15 : vector<1024x1xi1>, vector<1024x1xf32>
    %lt3A_16 = arith.constant 1000 : i32
    %lt3A_17 = vector.broadcast %lt3A_16 : i32 to vector<1024x1xi32>
    %lt3A_18 = arith.cmpi slt, %iota3A, %lt3A_17 : vector<1024x1xi32>
    %sub3A = arith.constant 1023 : i32
    %sub3A_19 = vector.broadcast %sub3A : i32 to vector<1024x1xi32>
    %sub3A_20 = arith.subi %sub3A_19, %iota3A : vector<1024x1xi32>
    %jit3A_21 = arith.constant 0 : i32
    %broadcast_in_dim3A_22 = vector.broadcast %jit3A_21 : i32 to vector<1024x1xi32>
    %select_n3A_23 = arith.select %lt3A_18, %sub3A_20, %broadcast_in_dim3A_22 : vector<1024x1xi1>, vector<1024x1xi32>
    %add3A_24 = vector.broadcast %select_n3A : vector<1024x1xf32> to vector<1024x2048xf32>
    %add3A_25 = arith.addf %dot_general3A_10, %add3A_24 : vector<1024x2048xf32>
    %bitcast_convert_type3A = tpu.bitcast %add3A_25 : vector<1024x2048xf32> -> vector<1024x2048xi32>
    %and3A = arith.constant -1024 : i32
    %and3A_26 = vector.broadcast %and3A : i32 to vector<1024x2048xi32>
    %and3A_27 = arith.andi %bitcast_convert_type3A, %and3A_26 : vector<1024x2048xi32>
    %or3A = vector.broadcast %select_n3A_23 : vector<1024x1xi32> to vector<1024x2048xi32>
    %or3A_28 = arith.ori %and3A_27, %or3A : vector<1024x2048xi32>
    %bitcast_convert_type3A_29 = tpu.bitcast %or3A_28 : vector<1024x2048xi32> -> vector<1024x2048xf32>
    %reduce_max3A = arith.constant dense<0xFF800000> : vector<2048xf32>
    %reduce_max3A_30 = vector.multi_reduction <maximumf>, %bitcast_convert_type3A_29, %reduce_max3A [0] : vector<1024x2048xf32> to vector<2048xf32>
    %broadcast_in_dim3A_31 = vector.shape_cast %reduce_max3A_30 : vector<2048xf32> to vector<1x2048xf32>
    %reduce_max3A_32 = arith.constant dense<0xFF800000> : vector<1024xf32>
    %reduce_max3A_33 = vector.multi_reduction <maximumf>, %add3A_25, %reduce_max3A_32 [1] : vector<1024x2048xf32> to vector<1024xf32>
    %broadcast_in_dim3A_34 = vector.shape_cast %reduce_max3A_33 : vector<1024xf32> to vector<1024x1xf32>
    %bitcast_convert_type3A_35 = tpu.bitcast %broadcast_in_dim3A_31 : vector<1x2048xf32> -> vector<1x2048xi32>
    %and3A_36 = arith.constant 1023 : i32
    %and3A_37 = vector.broadcast %and3A_36 : i32 to vector<1x2048xi32>
    %and3A_38 = arith.andi %bitcast_convert_type3A_35, %and3A_37 : vector<1x2048xi32>
    %sub3A_39 = arith.constant 1023 : i32
    %sub3A_40 = vector.broadcast %sub3A_39 : i32 to vector<1x2048xi32>
    %sub3A_41 = arith.subi %sub3A_40, %and3A_38 : vector<1x2048xi32>
    %and3A_42 = arith.constant -1024 : i32
    %and3A_43 = vector.broadcast %and3A_42 : i32 to vector<1x2048xi32>
    %and3A_44 = arith.andi %bitcast_convert_type3A_35, %and3A_43 : vector<1x2048xi32>
    %bitcast_convert_type3A_45 = tpu.bitcast %and3A_44 : vector<1x2048xi32> -> vector<1x2048xf32>
    %exp3A = math.exp %bitcast_convert_type3A_45 : vector<1x2048xf32>
    %broadcast_in_dim3A_46 = vector.shape_cast %exp3A : vector<1x2048xf32> to vector<1x2048xf32>
    %broadcast_in_dim3A_47 = vector.broadcast %broadcast_in_dim3A_46 : vector<1x2048xf32> to vector<128x2048xf32>
    %transpose3A = tpu.transpose %broadcast_in_dim3A_47, [1, 0] : vector<128x2048xf32> -> vector<2048x128xf32>
    %mul3A_48 = arith.mulf %mul3A_6, %transpose3A : vector<2048x128xf32>
    %swap3A = arith.constant 0 : index
    %swap3A_49 = arith.constant 0 : index
    %swap3A_50 = vector.load %arg3[%swap3A, %swap3A_49] : memref<2048x128xf32, #tpu.memory_space<vmem>>, vector<2048x128xf32>
    tpu.vector_store %arg3[%swap3A, %swap3A_49], %mul3A_48 {strides = array<i32>} : memref<2048x128xf32, #tpu.memory_space<vmem>>, vector<2048x128xf32>,
    %reshape3A = vector.shape_cast %sub3A_41 : vector<1x2048xi32> to vector<1x1x2048xi32>
    %swap3A_51 = arith.constant 0 : index
    %swap3A_52 = arith.constant 0 : index
    %swap3A_53 = arith.constant 0 : index
    %swap3A_54 = vector.load %arg4[%swap3A_51, %swap3A_52, %swap3A_53] : memref<1x1x2048xi32, #tpu.memory_space<vmem>>, vector<1x1x2048xi32>
    tpu.vector_store %arg4[%swap3A_51, %swap3A_52, %swap3A_53], %reshape3A {strides = array<i32>} : memref<1x1x2048xi32, #tpu.memory_space<vmem>>, vector<1x1x2048xi32>,
    %eq3A = arith.constant 0 : i32
    %eq3A_55 = arith.cmpi eq, %arg0, %eq3A : i32
    %convert_element_type3A_56 = arith.extui %eq3A_55 : i1 to i32
    %cond3A = arith.constant 0 : i32
    %cond3A_57 = arith.cmpi ne, %convert_element_type3A_56, %cond3A : i32
    scf.if %cond3A_57 {
      %swap3A_67 = arith.constant 0 : index
      %swap3A_68 = arith.constant 0 : index
      %swap3A_69 = vector.load %arg6[%swap3A_67, %swap3A_68] : memref<1024x1xf32, #tpu.memory_space<vmem>>, vector<1024x1xf32>
      tpu.vector_store %arg6[%swap3A_67, %swap3A_68], %broadcast_in_dim3A_34 {strides = array<i32>} : memref<1024x1xf32, #tpu.memory_space<vmem>>, vector<1024x1xf32>,
    } else {
    }
    %gt3A = arith.constant 0 : i32
    %gt3A_58 = arith.cmpi sgt, %arg0, %gt3A : i32
    %convert_element_type3A_59 = arith.extui %gt3A_58 : i1 to i32
    %cond3A_60 = arith.constant 0 : i32
    %cond3A_61 = arith.cmpi ne, %convert_element_type3A_59, %cond3A_60 : i32
    scf.if %cond3A_61 {
      %get3A_67 = arith.constant 0 : index
      %get3A_68 = arith.constant 0 : index
      %get3A_69 = vector.load %arg6[%get3A_67, %get3A_68] : memref<1024x1xf32, #tpu.memory_space<vmem>>, vector<1024x1xf32>
      %max3A = arith.maximumf %get3A_69, %broadcast_in_dim3A_34 : vector<1024x1xf32>
      %swap3A_70 = arith.constant 0 : index
      %swap3A_71 = arith.constant 0 : index
      %swap3A_72 = vector.load %arg6[%swap3A_70, %swap3A_71] : memref<1024x1xf32, #tpu.memory_space<vmem>>, vector<1024x1xf32>
      tpu.vector_store %arg6[%swap3A_70, %swap3A_71], %max3A {strides = array<i32>} : memref<1024x1xf32, #tpu.memory_space<vmem>>, vector<1024x1xf32>,
    } else {
    }
    %eq3A_62 = arith.constant 7 : i32
    %eq3A_63 = arith.cmpi eq, %arg0, %eq3A_62 : i32
    %convert_element_type3A_64 = arith.extui %eq3A_63 : i1 to i32
    %cond3A_65 = arith.constant 0 : i32
    %cond3A_66 = arith.cmpi ne, %convert_element_type3A_64, %cond3A_65 : i32
    scf.if %cond3A_66 {
      %get3A_67 = arith.constant 0 : index
      %get3A_68 = arith.constant 0 : index
      %get3A_69 = vector.load %arg6[%get3A_67, %get3A_68] : memref<1024x1xf32, #tpu.memory_space<vmem>>, vector<1024x1xf32>
      %swap3A_70 = arith.constant 0 : index
      %swap3A_71 = arith.constant 0 : index
      %swap3A_72 = vector.load %arg5[%swap3A_70, %swap3A_71] : memref<1024x1xf32, #tpu.memory_space<vmem>>, vector<1024x1xf32>
      tpu.vector_store %arg5[%swap3A_70, %swap3A_71], %get3A_69 {strides = array<i32>} : memref<1024x1xf32, #tpu.memory_space<vmem>>, vector<1024x1xf32>,
    } else {
    }
    return
  }
  func.func @transform_0(%arg0: i32) -> (i32, i32) {
    %add3A = arith.constant 0 : i32
    %add3A_0 = arith.addi %add3A, %arg0 : i32
    %c0_i32 = arith.constant 0 : i32
    %c0_i32_1 = arith.constant 0 : i32
    return %add3A_0, %c0_i32 : i32, i32
  }
  func.func @transform_1(%arg0: i32) -> (i32, i32) {
    %c0_i32 = arith.constant 0 : i32
    %c0_i32_0 = arith.constant 0 : i32
    %c0_i32_1 = arith.constant 0 : i32
    return %c0_i32, %c0_i32_0 : i32, i32
  }
  func.func @transform_2(%arg0: i32) -> (i32, i32) {
    %c0_i32 = arith.constant 0 : i32
    %c0_i32_0 = arith.constant 0 : i32
    return %arg0, %c0_i32 : i32, i32
  }
  func.func @transform_3(%arg0: i32) -> (i32, i32, i32) {
    %c0_i32 = arith.constant 0 : i32
    %c0_i32_0 = arith.constant 0 : i32
    %c0_i32_1 = arith.constant 0 : i32
    return %arg0, %c0_i32, %c0_i32_0 : i32, i32, i32
  }
  func.func @transform_4(%arg0: i32) -> (i32, i32) {
    %c0_i32 = arith.constant 0 : i32
    %c0_i32_0 = arith.constant 0 : i32
    %c0_i32_1 = arith.constant 0 : i32
    return %c0_i32, %c0_i32_0 : i32, i32
  }
}

</mosaic_0001>

<sc_bundles>
// kernel: kernel.10.cloned.1.call-start
scs
__scs_entry_jumppad:
0x0: {  	(pc) =	sbr.rel $0x88, $3  }
0x1: {  	(tag) =	ssettag $0x0;
	lr =	simm.s32 $0x1  }
0x2: {  	[smem:$0x3F9F] =	sst lr;
	_ =	strace $0xD0000000  }
0x3: {  	_ = 	snop  }
0x4: {  	_ = 	snop  }
0x5: {  	_ = 	snop  }
0x6: {  	_ = 	snop  }
0x7: {  	_ = 	snop  }
__scs_overlays_trampoline_lowered:
0x8: {  	[smem:$0x3FAE] =	sst s0  }
0x9: {  	[smem:$0x3FAF] =	sst s1  }
0xa: {  	[smem:$0x3FB0] =	sst s2  }
0xb: {  	[smem:$0x3FB1] =	sst s3  }
0xc: {  	[smem:$0x3FB2] =	sst s4  }
0xd: {  	[smem:$0x3FB3] =	sst s5  }
0xe: {  	[smem:$0x3FB4] =	sst s6  }
0xf: {  	[smem:$0x3FB5] =	sst s7  }
0x10: {  	[smem:$0x3FB6] =	sst s8  }
0x11: {  	[smem:$0x3FB7] =	sst s9;
	s0 =	simm.s32 @!p0 $0x0  }
0x12: {  	s1 =	sld [smem:$0x3F9D];
	s0 =	simm.s32 @p0 $0x1  }
0x13: {  	[smem:$0x3FB8] =	sst s0;
	s0 =	simm.s32 @!p1 $0x0  }
0x14: {  	s2 =	sld [smem:$0x3F9C];
	s0 =	simm.s32 @p1 $0x1  }
0x15: {  	[smem:$0x3FB9] =	sst s0;
	s0 =	simm.s32 @!p2 $0x0  }
0x16: {  	s3 =	sld [smem:$0x3FDB];
	s0 =	simm.s32 @p2 $0x1  }
0x17: {  	s4 =	simm.s32 $0x1BF5;
	[smem:$0x3FBB] =	sst s0  }
0x18: {  	s0 =	sld [smem:$0x3F9E];
	_ =	swait.ge [sflag:s4], $0x0  }
0x19: {  	s7 =	sld [smem:$0x3F9F]  }
0x1a: {  	s8 =	sadd.s32 $0xFFFFE003, lr  }
0x1b: {  	s9 =	sadd.s32 $0xFFFFFEF7, lr;
	s5 =	simm.s32 $0xFFFFFFFF;
	p2 =	slt.u32 s8, $0xFFFFF086  }
0x1c: {  	p1 =	slt.u32 s9, $0xF7A;
	s5 =	simm.s32 @!p2 $0x0  }
0x1d: {  	s5 =	simm.s32 @p1 $0x1;
	p0 =	seq.s32 s7, s2  }
0x1e: {  	s7 =	smul.u32 @!p0 $0xF7A, s2;
	p2 =	seq.s32 @!p0 s5, $0x0  }
0x1f: {  	s9 =	smul.u32 $0xF7A, s1;
	s8 =	simm.s32 @!p0 $0x1BF5;
	p2 =	por !p2, p0  }
0x20: {  	[sflag:s8] =	ssyncset.s32 @!p0 $0xFFFFF086;
	s6 =	sadd.s32 @!p0 s3, s7;
	s7 =	simm.s32 @!p0 $0x108  }
0x21: {  	s3 =	sadd.s32 s3, s9;
	s6 =	sadd.s32 @!p0 $0x88, s6;
	s7 =	simm.s32 @p2 $0x1082  }
0x22: {  	[simem:s7], [sflag:s8] =	dma.local @!p0 [hbm:s6], $0xF7A  }
0x23: {  	s9 =	sor.u32 $0xD0000000, s2;
	s6 =	simm.s32 $0x108;
	_ =	swait.ge @!p0 [sflag:s8], $0x0  }
0x24: {  	s3 =	sadd.s32 $0x88, s3;
	s6 =	simm.s32 @!p1 $0x1082;
	[sflag:s4] =	ssyncset.s32 $0xFFFFF086  }
0x25: {  	[simem:s6], [sflag:s4] =	dma.local [hbm:s3], $0xF7A  }
0x26: {  	[smem:$0x3F9F] =	sst s1;
	(tag) =	ssettag s2;
	_ =	strace s9  }
0x27: {  	s1 =	sld [smem:$0x3FAF]  }
0x28: {  	s2 =	sld [smem:$0x3FB0]  }
0x29: {  	s4 =	sld [smem:$0x3FB2]  }
0x2a: {  	p0 =	seq.s32 s5, $0x0;
	s5 =	sld [smem:$0x3FB3]  }
0x2b: {  	s6 =	sld [smem:$0x3FB4]  }
0x2c: {  	s7 =	sld [smem:$0x3FB5]  }
0x2d: {  	s3 =	simm.s32 $0x108;
	s8 =	sld [smem:$0x3FB6]  }
0x2e: {  	s3 =	simm.s32 @!p0 $0x1082;
	s9 =	sld [smem:$0x3FB7]  }
0x2f: {  	lr =	sadd.s32 s0, s3;
	s0 =	sld [smem:$0x3FAE]  }
0x30: {  	s3 =	sld [smem:$0x3FB1]  }
0x31: {  	[smem:$0x3FBA] =	sst s10  }
0x32: {  	s10 =	sld [smem:$0x3FB8];
	_ =	sdelay $0x3  }
0x33: {  	p0 =	seq.s32 s10, $0x1;
	s10 =	sld [smem:$0x3FBA];
	_ =	sdelay $0x3  }
0x34: {  	[smem:$0x3FBA] =	sst s10  }
0x35: {  	s10 =	sld [smem:$0x3FB9];
	_ =	sdelay $0x3  }
0x36: {  	p1 =	seq.s32 s10, $0x1;
	s10 =	sld [smem:$0x3FBA];
	_ =	sdelay $0x3  }
0x37: {  	[smem:$0x3FBA] =	sst s10  }
0x38: {  	s10 =	sld [smem:$0x3FBB]  }
0x39: {  	_ = 	snop;
	(pc) =	sbr.ind lr, $3  }
0x3a: {  	_ = 	snop  }
0x3b: {  	_ = 	snop  }
0x3c: {  	p2 =	seq.s32 s10, $0x1;
	s10 =	sld [smem:$0x3FBA]  }
0x3d: {  	_ =	shalt  }
0x3e: {  	_ =	shalt  }
0x3f: {  	_ =	shalt  }
0x40: {  	_ =	shalt  }
0x41: {  	_ =	shalt  }
0x42: {  	_ =	shalt  }
0x43: {  	_ =	shalt  }
0x44: {  	_ =	shalt  }
0x45: {  	_ =	shalt  }
0x46: {  	_ =	shalt  }
0x47: {  	_ =	shalt  }
0x48: {  	_ =	shalt  }
0x49: {  	_ =	shalt  }
0x4a: {  	_ =	shalt  }
0x4b: {  	_ =	shalt  }
0x4c: {  	_ =	shalt  }
0x4d: {  	_ =	shalt  }
0x4e: {  	_ =	shalt  }
0x4f: {  	_ =	shalt  }
0x50: {  	_ =	shalt  }
0x51: {  	_ =	shalt  }
0x52: {  	_ =	shalt  }
0x53: {  	_ =	shalt  }
0x54: {  	_ =	shalt  }
0x55: {  	_ =	shalt  }
0x56: {  	_ =	shalt  }
0x57: {  	_ =	shalt  }
0x58: {  	_ =	shalt  }
0x59: {  	_ =	shalt  }
0x5a: {  	_ =	shalt  }
0x5b: {  	_ =	shalt  }
0x5c: {  	_ =	shalt  }
0x5d: {  	_ =	shalt  }
0x5e: {  	_ =	shalt  }
0x5f: {  	_ =	shalt  }
0x60: {  	_ =	shalt  }
0x61: {  	_ =	shalt  }
0x62: {  	_ =	shalt  }
0x63: {  	_ =	shalt  }
0x64: {  	_ =	shalt  }
0x65: {  	_ =	shalt  }
0x66: {  	_ =	shalt  }
0x67: {  	_ =	shalt  }
0x68: {  	_ =	shalt  }
0x69: {  	_ =	shalt  }
0x6a: {  	_ =	shalt  }
0x6b: {  	_ =	shalt  }
0x6c: {  	_ =	shalt  }
0x6d: {  	_ =	shalt  }
0x6e: {  	_ =	shalt  }
0x6f: {  	_ =	shalt  }
0x70: {  	_ =	shalt  }
0x71: {  	_ =	shalt  }
0x72: {  	_ =	shalt  }
0x73: {  	_ =	shalt  }
0x74: {  	_ =	shalt  }
0x75: {  	_ =	shalt  }
0x76: {  	_ =	shalt  }
0x77: {  	_ =	shalt  }
0x78: {  	_ =	shalt  }
0x79: {  	_ =	shalt  }
0x7a: {  	_ =	shalt  }
0x7b: {  	_ =	shalt  }
0x7c: {  	_ =	shalt  }
0x7d: {  	_ =	shalt  }
0x7e: {  	_ =	shalt  }
0x7f: {  	_ =	shalt  }
0x80: {  	_ =	shalt  }
0x81: {  	_ =	shalt  }
0x82: {  	_ =	shalt  }
0x83: {  	_ =	shalt  }
0x84: {  	_ =	shalt  }
0x85: {  	_ =	shalt  }
0x86: {  	_ =	shalt  }
0x87: {  	_ =	shalt  }
.Lfunc_end0:
.L_simem_size_0:
called_computation.1_lowered:
.L_overlay_start_0:
0x88: {  	s2 =	sld [smem:$0x3FD9]  }
0x89: {  	s3 =	sld [smem:$0x3FFE];
	_ =	sdelay $0x1  }
0x8a: {  	s1 =	srdreg.scid  }
0x8b: {  	s0 =	sand.u32 $0x1, s1  }
0x8c: {  	s16 =	sshll.u32 s0, $0xA;
	s2 =	sadd.s32 s3, s2  }
0x8d: {  	s2 =	sadd.s32 s2, s16  }
0x8e: {  	[smem:$0x3FC6] =	sst s2  }
0x8f: {  	_ = 	snop  }
0x90: {  	(tm) =	ssettm $0x1  }
0x91: {  	s17 =	sld [smem:$0x3FFB];
	_ =	sdelay $0x3  }
0x92: {  	_ =	strace s17  }
0x93: {  	s2 =	sld [smem:$0x3FFC];
	_ =	sdelay $0x3  }
0x94: {  	_ =	strace s2  }
0x95: {  	s2 =	sld [smem:$0x3FFD];
	_ =	sdelay $0x3  }
0x96: {  	_ =	strace s2  }
0x97: {  	_ =	strace $0x8FFFFFFF  }
0x98: {  	s18 =	sld [smem:$0x3FDB];
	_ =	sdelay $0x1  }
0x99: {  	s19 =	simm.s32 $_scs_section_size  }
0x9a: {  	s4 =	simm.s32 $_size__tile_overlayer_lowered;
	s5 =	simm.s32 $_tile_overlayer_lowered  }
0x9b: {  	s22 =	simm.s32 $0x1BFF;
	s21 =	sshll.u32 s5, $0x1;
	s2 =	sadd.s32 s19, s18  }
0x9c: {  	s6 =	simm.s32 $0x0;
	s20 =	sshll.u32 s4, $0x1;
	s4 =	sadd.s32 s21, s2  }
0x9d: {  	[timem:s6], [sflag:s22] =	dma.local [hbm:s4], s20  }
0x9e: {  	_ =	swait.ge [sflag:s22], s20  }
0x9f: {  	s3 =	ssub.s32 $0x0, s20;
	[sflag:s22] =	ssyncset.done $0x0  }
0xa0: {  	[sflag:s22] =	ssyncadd.s32 s3;
	_ =	sdelay $0x1  }
0xa1: {  	s23 =	simm.s32 $0x1B8B  }
0xa2: {  	_ =	swait.ge [sflag:s23], $0x1  }
0xa3: {  	[sflag:s23] =	ssyncset.done $0x0  }
0xa4: {  	s25 =	simm.s32 $0x1B8E;
	s24 =	sld [smem:$0x3FFE];
	[sflag:s23] =	ssyncadd.s32 $0xFFFFFFFF  }
0xa5: {  	s26 =	simm.s32 $execute0_lowered;
	[smem:$0x3FD2] =	sst s25  }
0xa6: {  	s4 =	sshll.u32 s26, $0x1;
	_ =	strace $0x80000046;
	[dreg:$0x1] =	wrdreg $0xFFFFFFFF  }
0xa7: {  	s28 =	simm.s32 $_size_execute0_lowered;
	s2 =	sadd.s32 s2, s4;
	[dreg:$0x0] =	wrdreg $0x0  }
0xa8: {  	s4 =	sshll.u32 s28, $0x1;
	[dreg:$0x2] =	wrdreg s2  }
0xa9: {  	[dreg:$0x3] =	wrdreg s4  }
0xaa: {  	[dreg:$0x4] =	wrdreg $0xC0  }
0xab: {  	_ =	task [dreg:s6], $0x5FFFF  }
0xac: {  	[dreg:$0x1] =	wrdreg $0xFFFFFFFF  }
0xad: {  	[dreg:$0x0] =	wrdreg $0x60  }
0xae: {  	[dreg:$0x2] =	wrdreg s24  }
0xaf: {  	[dreg:$0x3] =	wrdreg $0x102000  }
0xb0: {  	[dreg:$0x4] =	wrdreg $0xA  }
0xb1: {  	_ =	task.clear_ibuf [dreg:s6], $0x5FFFF;
	_ =	strace $0x90000046  }
0xb2: {  	s29 =	simm.s32 $0xA;
	_ =	strace $0x80000048  }
0xb3: {  	_ =	swait.ge [sflag:s29], $0x1  }
0xb4: {  	[sflag:s29] =	ssyncadd.s32 $0xFFFFFFFF  }
0xb5: {  	_ =	strace $0x90000048  }
0xb6: {  	_ =	sfence  }
0xb7: {  	s30 =	sld [smem:$0x0];
	_ =	sdelay $0x2  }
0xb8: {  	s31 =	sshll.u32 s1, $0xD;
	s1 =	sshrl.u32 s1, $0x2  }
0xb9: {  	s3 =	sand.u32 $0x4000, s31;
	s1 =	sadd.s32 s1, s30  }
0xba: {  	s0 =	sor.u32 s3, s0;
	s1 =	sshll.u32 s1, $0x11  }
0xbb: {  	s0 =	sor.u32 s1, s0  }
0xbc: {  	s0 =	sadd.s32 $0x8F2B, s0  }
0xbd: {  	[sflag:s0] =	ssyncadd.remote.s32 $0x1  }
0xbe: {  	_ =	sfence.sel $0xFFFF  }
0xbf: {  	[dreg:$0x0] =	wrdreg $0xFFFFFFFF;
	(pc) =	sbr.abs _section_cstart, $3  }
0xc0: {  	[dreg:$0x1] =	wrdreg $0xFFFFFFFF  }
0xc1: {  	_ =	task.clear_ibuf [dreg:s6], $0x2FFFF;
	_ =	strace $0x9FFFFFFF  }
0xc2: {  	(tm) =	ssettm $0x7FFFFFFF  }
0xc3: {  	_ =	shalt  }
tec
execute0_lowered:
.L_overlay_start_1:
0x0: {  	(tag) =	ssettag $0x1  }
0x1: {  	s3 =	rddreg [dreg:$0x0]  }
0x2: {  	s1 =	rddreg [dreg:$0x1]  }
0x3: {  	s2 =	srdreg.scid;
	s0 =	rddreg [dreg:$0x2]  }
0x4: {  	s9 =	stileid.u32;
	s22 =	simm.s32 $0x200;
	s19 =	simm.s32 $0x4200  }
0x5: {  	s23 =	simm.s32 $0x1;
	s12 =	simm.s32 $0x8200;
	s21 =	simm.s32 $0x2  }
0x6: {  	s15 =	simm.s32 $0x3;
	s16 =	simm.s32 $0x100;
	p1 =	por $0x0, $0x0  }
0x7: {  	s4 =	sand.u32 $0x1, s2;
	s2 =	simm.s32 $0x0;
	s5 =	sshll.u32 s9, $0xE  }
0x8: {  	s17 =	sadd.s32 $0x42200, s3;
	s8 =	sshll.u32 s9, $0x7;
	s10 =	sshll.u32 s9, $0xA  }
0x9: {  	s30 =	sshll.u32 s9, $0xD;
	p0 =	sne.s32 s9, $0x0;
	s9 =	sshll.u32 s9, $0x6  }
0xa: {  	s6 =	sshll.u32 s4, $0xD;
	[smem:$0x7FF] =	sst s2;
	s7 =	ssub.s32 $0x2, s4  }
0xb: {  	s29 =	sshll.u32 s4, $0x6;
	s4 =	sshll.u32 s4, $0xE;
	s11 =	sshrl.u32 s7, $0x1  }
0xc: {  	s31 =	sadd.s32 s30, s1;
	s24 =	sshrl.u32 @!p0 s1, $0x3;
	s7 =	ssub.s32 s7, s11  }
0xd: {  	s9 =	sor.u32 $0x1C05, s9;
	s5 =	sor.u32 s6, s5;
	s13 =	smax.u32 s7, $0x1  }
0xe: {  	_ =	strace $0x80000047;
	s6 =	sadd.s32 s29, s3;
	s28 =	sadd.s32 $0xFFFFFFFF, s13  }
0xf: {  	s5 =	sadd.s32 s5, s3;
	s6 =	sadd.s32 s8, s6;
	p2 =	sne.s32 s28, $0x0  }
.Ltmp0:
0x10: {  	s3 =	sadd.s32 s10, s3;
	s10 =	simm.s32 $0x4;
	(pc) =	sbr.rel @!p2 .LBB2_3-.Ltmp0, $4  }
0x11: {  	s11 =	sshrl.u32 s31, $0x3;
	s20 =	sadd.s32 $0x41A00, s6;
	s18 =	sadd.s32 $0x1A00, s5  }
0x12: {  	s14 =	sadd.s32 $0x2200, s5;
	s8 =	sadd.s32 $0x2A00, s5;
	s5 =	sadd.s32 $0x3200, s5  }
0x13: {  	s3 =	sadd.s32 s4, s3;
	s4 =	simm.s32 $0x5;
	s6 =	simm.s32 $0x80  }
0x14: {  	s7 =	simm.s32 $0xC200;
	s3 =	sadd.s32 $0x46200, s3;
	s13 =	simm.s32 $0x180  }
0x15: {  	s25 =	simm.s32 @!p0 $0x1C05;
	s26 =	simm.s32 @!p0 $0x5  }
0x16: {  	[spmem:s24], [sflag:s25] =	dma.local @!p0 [hbm:s17], $0x4000  }
0x17: {  	_ =	swait.ge @!p0 [sflag:s26], $0x4000  }
0x18: {  	[sflag:s26] =	ssyncset.done @!p0 $0x0  }
0x19: {  	[sflag:s26] =	ssyncadd.s32 @!p0 $0xFFFFC000  }
0x1a: {  	[tilespmem:s2], [sflag:$0x5] =	stream.linear.gather [hbm4b:s20+s2], $0x200, $0x38;
	[tilespmem:$0x12200] =	vst v63  }
0x1b: {  	_ =	swait.ge [sflag:s4], $0x200  }
0x1c: {  	[sflag:s4] =	ssyncset.done $0x0  }
0x1d: {  	[sflag:s4] =	ssyncadd.s32 $0xFFFFFE00  }
0x1e: {  	[tilespmem:s22], [sflag:$0x1] =	stream.linear.gather [hbm4b:s18+s2], $0x4000, $0x38;
	[tilespmem:$0x12200] =	vst v63  }
0x1f: {  	[bflag:$0x0] =	sbarrier.arrive $0xFFFF  }
0x20: {  	[tilespmem:s19], [sflag:$0x2] =	stream.linear.gather [hbm4b:s14+s2], $0x4000, $0x38;
	[tilespmem:$0x12200] =	vst v63  }
0x21: {  	_ =	swait.ge [sflag:s23], $0x4000  }
0x22: {  	[sflag:s23] =	ssyncset.done $0x0  }
0x23: {  	[sflag:s23] =	ssyncadd.s32 $0xFFFFC000  }
0x24: {  	[spmem:s1] =	stream.indirect.scatter.add.f32 [tilespmem:s22], [sflag:$0x5], $0x80, s2, s6, $0xb8;
	[tilespmem:$0x12200] =	vst v63  }
0x25: {  	_ =	swait.ge [sflag:s4], $0x4000  }
0x26: {  	[sflag:s4] =	ssyncset.done $0x0  }
0x27: {  	[sflag:s4] =	ssyncadd.s32 $0xFFFFC000  }
0x28: {  	[tilespmem:s12], [sflag:$0x3] =	stream.linear.gather [hbm4b:s8+s2], $0x4000, $0x38;
	[tilespmem:$0x12200] =	vst v63  }
0x29: {  	_ =	swait.ge [sflag:s21], $0x4000  }
0x2a: {  	[sflag:s21] =	ssyncset.done $0x0  }
0x2b: {  	[sflag:s21] =	ssyncadd.s32 $0xFFFFC000  }
0x2c: {  	[spmem:s1] =	stream.indirect.scatter.add.f32 [tilespmem:s19], [sflag:$0x5], $0x80, s6, s6, $0xb8;
	[tilespmem:$0x12200] =	vst v63  }
0x2d: {  	_ =	swait.ge [sflag:s4], $0x4000  }
0x2e: {  	[sflag:s4] =	ssyncset.done $0x0  }
0x2f: {  	[sflag:s4] =	ssyncadd.s32 $0xFFFFC000  }
0x30: {  	[tilespmem:s7], [sflag:$0x4] =	stream.linear.gather [hbm4b:s5+s2], $0x4000, $0x38;
	[tilespmem:$0x12200] =	vst v63  }
0x31: {  	_ =	swait.ge [sflag:s15], $0x4000  }
0x32: {  	[sflag:s15] =	ssyncset.done $0x0  }
0x33: {  	[sflag:s15] =	ssyncadd.s32 $0xFFFFC000  }
0x34: {  	[spmem:s1] =	stream.indirect.scatter.add.f32 [tilespmem:s12], [sflag:$0x5], $0x80, s16, s6, $0xb8;
	[tilespmem:$0x12200] =	vst v63  }
0x35: {  	_ =	swait.ge [sflag:s4], $0x4000  }
0x36: {  	[sflag:s4] =	ssyncset.done $0x0  }
0x37: {  	[sflag:s4] =	ssyncadd.s32 $0xFFFFC000  }
0x38: {  	_ =	swait.ge [sflag:s10], $0x4000  }
0x39: {  	[sflag:s10] =	ssyncset.done $0x0  }
0x3a: {  	[sflag:s10] =	ssyncadd.s32 $0xFFFFC000  }
0x3b: {  	[spmem:s1] =	stream.indirect.scatter.add.f32 [tilespmem:s7], [sflag:$0x5], $0x80, s13, s6, $0xb8;
	[tilespmem:$0x12200] =	vst v63  }
0x3c: {  	s28 =	sadd.s32 $0xFFFFFFFF, s28;
	_ =	swait.ge [sflag:s4], $0x4000  }
0x3d: {  	p2 =	sne.s32 s28, $0x0;
	[sflag:s4] =	ssyncset.done $0x0  }
.Ltmp1:
0x3e: {  	[sflag:s4] =	ssyncadd.s32 $0xFFFFC000;
	(pc) =	sbr.rel @!p2 .LBB2_3-.Ltmp1, $4  }
0x3f: {  	[bflag:$0x0] =	sbarrier.arrive $0xFFFF  }
0x40: {  	[hbm:s3], [sflag:s9] =	dma.local [spmem:s11], $0x400  }
0x41: {  	_ =	swait.ge [sflag:s4], $0x400  }
0x42: {  	p1 =	por $0x1, $0x1;
	[sflag:s4] =	ssyncset.done $0x0  }
.LBB2_2:
0x43: {  	[sflag:s4] =	ssyncadd.s32 $0xFFFFFC00  }
0x44: {  	[spmem:s24], [sflag:s25] =	dma.local @!p0 [hbm:s17], $0x4000  }
0x45: {  	s28 =	sadd.s32 $0xFFFFFFFF, s28;
	_ =	swait.ge @!p0 [sflag:s26], $0x4000  }
0x46: {  	p2 =	sne.s32 s28, $0x0;
	[sflag:s26] =	ssyncset.done @!p0 $0x0  }
0x47: {  	[sflag:s26] =	ssyncadd.s32 @!p0 $0xFFFFC000  }
0x48: {  	[tilespmem:s2], [sflag:$0x5] =	stream.linear.gather [hbm4b:s20+s2], $0x200, $0x38;
	[tilespmem:$0x12200] =	vst v63  }
0x49: {  	_ =	swait.ge [sflag:s4], $0x200  }
0x4a: {  	[sflag:s4] =	ssyncset.done $0x0  }
0x4b: {  	[sflag:s4] =	ssyncadd.s32 $0xFFFFFE00  }
0x4c: {  	[tilespmem:s22], [sflag:$0x1] =	stream.linear.gather [hbm4b:s18+s2], $0x4000, $0x38;
	[tilespmem:$0x12200] =	vst v63  }
0x4d: {  	[bflag:$0x0] =	sbarrier.arrive $0xFFFF  }
0x4e: {  	[tilespmem:s19], [sflag:$0x2] =	stream.linear.gather [hbm4b:s14+s2], $0x4000, $0x38;
	[tilespmem:$0x12200] =	vst v63  }
0x4f: {  	_ =	swait.ge [sflag:s23], $0x4000  }
0x50: {  	[sflag:s23] =	ssyncset.done $0x0  }
0x51: {  	[sflag:s23] =	ssyncadd.s32 $0xFFFFC000  }
0x52: {  	[spmem:s1] =	stream.indirect.scatter.add.f32 [tilespmem:s22], [sflag:$0x5], $0x80, s2, s6, $0xb8;
	[tilespmem:$0x12200] =	vst v63  }
0x53: {  	_ =	swait.ge [sflag:s4], $0x4000  }
0x54: {  	[sflag:s4] =	ssyncset.done $0x0  }
0x55: {  	[sflag:s4] =	ssyncadd.s32 $0xFFFFC000  }
0x56: {  	[tilespmem:s12], [sflag:$0x3] =	stream.linear.gather [hbm4b:s8+s2], $0x4000, $0x38;
	[tilespmem:$0x12200] =	vst v63  }
0x57: {  	_ =	swait.ge [sflag:s21], $0x4000  }
0x58: {  	[sflag:s21] =	ssyncset.done $0x0  }
0x59: {  	[sflag:s21] =	ssyncadd.s32 $0xFFFFC000  }
0x5a: {  	[spmem:s1] =	stream.indirect.scatter.add.f32 [tilespmem:s19], [sflag:$0x5], $0x80, s6, s6, $0xb8;
	[tilespmem:$0x12200] =	vst v63  }
0x5b: {  	_ =	swait.ge [sflag:s4], $0x4000  }
0x5c: {  	[sflag:s4] =	ssyncset.done $0x0  }
0x5d: {  	[sflag:s4] =	ssyncadd.s32 $0xFFFFC000  }
0x5e: {  	[tilespmem:s7], [sflag:$0x4] =	stream.linear.gather [hbm4b:s5+s2], $0x4000, $0x38;
	[tilespmem:$0x12200] =	vst v63  }
0x5f: {  	_ =	swait.ge [sflag:s15], $0x4000  }
0x60: {  	[sflag:s15] =	ssyncset.done $0x0  }
0x61: {  	[sflag:s15] =	ssyncadd.s32 $0xFFFFC000  }
0x62: {  	[spmem:s1] =	stream.indirect.scatter.add.f32 [tilespmem:s12], [sflag:$0x5], $0x80, s16, s6, $0xb8;
	[tilespmem:$0x12200] =	vst v63  }
0x63: {  	_ =	swait.ge [sflag:s4], $0x4000  }
0x64: {  	[sflag:s4] =	ssyncset.done $0x0  }
0x65: {  	[sflag:s4] =	ssyncadd.s32 $0xFFFFC000  }
0x66: {  	_ =	swait.ge [sflag:s10], $0x4000  }
0x67: {  	[sflag:s10] =	ssyncset.done $0x0  }
0x68: {  	[sflag:s10] =	ssyncadd.s32 $0xFFFFC000  }
0x69: {  	[spmem:s1] =	stream.indirect.scatter.add.f32 [tilespmem:s7], [sflag:$0x5], $0x80, s13, s6, $0xb8;
	[tilespmem:$0x12200] =	vst v63  }
0x6a: {  	_ =	swait.ge [sflag:s4], $0x4000  }
0x6b: {  	[sflag:s4] =	ssyncset.done $0x0  }
.Ltmp2:
0x6c: {  	[sflag:s4] =	ssyncadd.s32 $0xFFFFC000;
	(pc) =	sbr.rel @p2 .LBB2_2-.Ltmp2, $4  }
0x6d: {  	[bflag:$0x0] =	sbarrier.arrive $0xFFFF  }
0x6e: {  	[hbm:s3], [sflag:s9] =	dma.local [spmem:s11], $0x400  }
0x6f: {  	_ =	swait.ge [sflag:s4], $0x400  }
0x70: {  	[sflag:s4] =	ssyncset.done $0x0  }
.LBB2_3:
0x71: {  	s25 =	simm.s32 @!p0 $0x1C05;
	[sflag:s4] =	ssyncadd.s32 @p1 $0xFFFFFC00  }
0x72: {  	[spmem:s24], [sflag:s25] =	dma.local @!p0 [hbm:s17], $0x4000  }
0x73: {  	s17 =	simm.s32 @!p0 $0x5  }
0x74: {  	_ =	swait.ge @!p0 [sflag:s17], $0x4000  }
0x75: {  	[sflag:s17] =	ssyncset.done @!p0 $0x0  }
0x76: {  	[sflag:s17] =	ssyncadd.s32 @!p0 $0xFFFFC000  }
0x77: {  	[tilespmem:s2], [sflag:$0x5] =	stream.linear.gather [hbm4b:s20+s2], $0x200, $0x38;
	[tilespmem:$0x12200] =	vst v63  }
0x78: {  	_ =	swait.ge [sflag:s4], $0x200  }
0x79: {  	[sflag:s4] =	ssyncset.done $0x0  }
0x7a: {  	[sflag:s4] =	ssyncadd.s32 $0xFFFFFE00  }
0x7b: {  	[tilespmem:s22], [sflag:$0x1] =	stream.linear.gather [hbm4b:s18+s2], $0x4000, $0x38;
	[tilespmem:$0x12200] =	vst v63  }
0x7c: {  	[bflag:$0x0] =	sbarrier.arrive $0xFFFF  }
0x7d: {  	[tilespmem:s19], [sflag:$0x2] =	stream.linear.gather [hbm4b:s14+s2], $0x4000, $0x38;
	[tilespmem:$0x12200] =	vst v63  }
0x7e: {  	_ =	swait.ge [sflag:s23], $0x4000  }
0x7f: {  	[sflag:s23] =	ssyncset.done $0x0  }
0x80: {  	[sflag:s23] =	ssyncadd.s32 $0xFFFFC000  }
0x81: {  	[spmem:s1] =	stream.indirect.scatter.add.f32 [tilespmem:s22], [sflag:$0x5], $0x80, s2, s6, $0xb8;
	[tilespmem:$0x12200] =	vst v63  }
0x82: {  	_ =	swait.ge [sflag:s4], $0x4000  }
0x83: {  	[sflag:s4] =	ssyncset.done $0x0  }
0x84: {  	[sflag:s4] =	ssyncadd.s32 $0xFFFFC000  }
0x85: {  	[tilespmem:s12], [sflag:$0x3] =	stream.linear.gather [hbm4b:s8+s2], $0x4000, $0x38;
	[tilespmem:$0x12200] =	vst v63  }
0x86: {  	_ =	swait.ge [sflag:s21], $0x4000  }
0x87: {  	[sflag:s21] =	ssyncset.done $0x0  }
0x88: {  	[sflag:s21] =	ssyncadd.s32 $0xFFFFC000  }
0x89: {  	[spmem:s1] =	stream.indirect.scatter.add.f32 [tilespmem:s19], [sflag:$0x5], $0x80, s6, s6, $0xb8;
	[tilespmem:$0x12200] =	vst v63  }
0x8a: {  	_ =	swait.ge [sflag:s4], $0x4000  }
0x8b: {  	[sflag:s4] =	ssyncset.done $0x0  }
0x8c: {  	[sflag:s4] =	ssyncadd.s32 $0xFFFFC000  }
0x8d: {  	[tilespmem:s7], [sflag:$0x4] =	stream.linear.gather [hbm4b:s5+s2], $0x4000, $0x38;
	[tilespmem:$0x12200] =	vst v63  }
0x8e: {  	_ =	swait.ge [sflag:s15], $0x4000  }
0x8f: {  	[sflag:s15] =	ssyncset.done $0x0  }
0x90: {  	[sflag:s15] =	ssyncadd.s32 $0xFFFFC000  }
0x91: {  	[spmem:s1] =	stream.indirect.scatter.add.f32 [tilespmem:s12], [sflag:$0x5], $0x80, s16, s6, $0xb8;
	[tilespmem:$0x12200] =	vst v63  }
0x92: {  	_ =	swait.ge [sflag:s4], $0x4000  }
0x93: {  	[sflag:s4] =	ssyncset.done $0x0  }
0x94: {  	[sflag:s4] =	ssyncadd.s32 $0xFFFFC000  }
0x95: {  	_ =	swait.ge [sflag:s10], $0x4000  }
0x96: {  	[sflag:s10] =	ssyncset.done $0x0  }
0x97: {  	[sflag:s10] =	ssyncadd.s32 $0xFFFFC000  }
0x98: {  	[spmem:s1] =	stream.indirect.scatter.add.f32 [tilespmem:s7], [sflag:$0x5], $0x80, s13, s6, $0xb8;
	[tilespmem:$0x12200] =	vst v63  }
0x99: {  	_ =	swait.ge [sflag:s4], $0x4000  }
0x9a: {  	[sflag:s4] =	ssyncset.done $0x0  }
0x9b: {  	[sflag:s4] =	ssyncadd.s32 $0xFFFFC000  }
0x9c: {  	[bflag:$0x0] =	sbarrier.arrive $0xFFFF  }
0x9d: {  	[hbm:s3], [sflag:s9] =	dma.local [spmem:s11], $0x400  }
0x9e: {  	_ =	swait.ge [sflag:s4], $0x400  }
0x9f: {  	[sflag:s4] =	ssyncset.done $0x0  }
0xa0: {  	[sflag:s4] =	ssyncadd.s32 $0xFFFFFC00  }
0xa1: {  	_ =	sfence.sel $0x180000  }
0xa2: {  	[bflag:$0x0] =	sbarrier.arrive $0xFFFF  }
0xa3: {  	_ =	strace $0x90000047  }
0xa4: {  	s0 =	sadd.s32 @!p0 $0x100000, s0;
	[bflag:$0x2] =	sbarrier.arrive $0xFFFF  }
0xa5: {  	[sflag:s0] =	ssyncadd.tile.s32 @!p0 $0x1;
	_ =	shalt  }
.Lfunc_end2:
_tile_overlayer_lowered:
.L_overlay_start_2:
0xa6: {  	(tag) =	ssettag $0x2  }
0xa7: {  	s0 =	rddreg [dreg:$0x0];
	s2 =	stileid.u32  }
0xa8: {  	s1 =	rddreg [dreg:$0x1];
	p0 =	sne.s32 s2, $0x0  }
0xa9: {  	s3 =	rddreg [dreg:$0x2];
	[bflag:$0x3] =	sbarrier.arrive $0xFFFF;
	s2 =	simm.s32 @!p0 $0x1C05  }
0xaa: {  	[timem:s3], [sflag:s2] =	dma.local @!p0 [hbm:s0], s1  }
0xab: {  	s0 =	simm.s32 @!p0 $0x5  }
0xac: {  	_ =	swait.ge @!p0 [sflag:s0], s1  }
0xad: {  	s1 =	ssub.s32 @!p0 $0x0, s1;
	[sflag:s0] =	ssyncset.done @!p0 $0x0  }
0xae: {  	[sflag:s0] =	ssyncadd.s32 @!p0 s1  }
0xaf: {  	[bflag:$0x3] =	sbarrier.arrive $0xFFFF  }
0xb0: {  	_ =	shalt  }

// kernel: kernel.7.cloned.1.call-start
scs
__scs_entry_jumppad:
0x0: {  	(pc) =	sbr.rel $0x88, $3  }
0x1: {  	(tag) =	ssettag $0x0;
	lr =	simm.s32 $0x1  }
0x2: {  	[smem:$0x3F9F] =	sst lr;
	_ =	strace $0xD0000000  }
0x3: {  	_ = 	snop  }
0x4: {  	_ = 	snop  }
0x5: {  	_ = 	snop  }
0x6: {  	_ = 	snop  }
0x7: {  	_ = 	snop  }
__scs_overlays_trampoline_lowered:
0x8: {  	[smem:$0x3FAE] =	sst s0  }
0x9: {  	[smem:$0x3FAF] =	sst s1  }
0xa: {  	[smem:$0x3FB0] =	sst s2  }
0xb: {  	[smem:$0x3FB1] =	sst s3  }
0xc: {  	[smem:$0x3FB2] =	sst s4  }
0xd: {  	[smem:$0x3FB3] =	sst s5  }
0xe: {  	[smem:$0x3FB4] =	sst s6  }
0xf: {  	[smem:$0x3FB5] =	sst s7  }
0x10: {  	[smem:$0x3FB6] =	sst s8  }
0x11: {  	[smem:$0x3FB7] =	sst s9;
	s0 =	simm.s32 @!p0 $0x0  }
0x12: {  	s1 =	sld [smem:$0x3F9D];
	s0 =	simm.s32 @p0 $0x1  }
0x13: {  	[smem:$0x3FB8] =	sst s0;
	s0 =	simm.s32 @!p1 $0x0  }
0x14: {  	s2 =	sld [smem:$0x3F9C];
	s0 =	simm.s32 @p1 $0x1  }
0x15: {  	[smem:$0x3FB9] =	sst s0;
	s0 =	simm.s32 @!p2 $0x0  }
0x16: {  	s3 =	sld [smem:$0x3FDB];
	s0 =	simm.s32 @p2 $0x1  }
0x17: {  	s4 =	simm.s32 $0x1BF5;
	[smem:$0x3FBB] =	sst s0  }
0x18: {  	s0 =	sld [smem:$0x3F9E];
	_ =	swait.ge [sflag:s4], $0x0  }
0x19: {  	s7 =	sld [smem:$0x3F9F]  }
0x1a: {  	s8 =	sadd.s32 $0xFFFFE003, lr  }
0x1b: {  	s9 =	sadd.s32 $0xFFFFFEF7, lr;
	s5 =	simm.s32 $0xFFFFFFFF;
	p2 =	slt.u32 s8, $0xFFFFF086  }
0x1c: {  	p1 =	slt.u32 s9, $0xF7A;
	s5 =	simm.s32 @!p2 $0x0  }
0x1d: {  	s5 =	simm.s32 @p1 $0x1;
	p0 =	seq.s32 s7, s2  }
0x1e: {  	s7 =	smul.u32 @!p0 $0xF7A, s2;
	p2 =	seq.s32 @!p0 s5, $0x0  }
0x1f: {  	s9 =	smul.u32 $0xF7A, s1;
	s8 =	simm.s32 @!p0 $0x1BF5;
	p2 =	por !p2, p0  }
0x20: {  	[sflag:s8] =	ssyncset.s32 @!p0 $0xFFFFF086;
	s6 =	sadd.s32 @!p0 s3, s7;
	s7 =	simm.s32 @!p0 $0x108  }
0x21: {  	s3 =	sadd.s32 s3, s9;
	s6 =	sadd.s32 @!p0 $0x88, s6;
	s7 =	simm.s32 @p2 $0x1082  }
0x22: {  	[simem:s7], [sflag:s8] =	dma.local @!p0 [hbm:s6], $0xF7A  }
0x23: {  	s9 =	sor.u32 $0xD0000000, s2;
	s6 =	simm.s32 $0x108;
	_ =	swait.ge @!p0 [sflag:s8], $0x0  }
0x24: {  	s3 =	sadd.s32 $0x88, s3;
	s6 =	simm.s32 @!p1 $0x1082;
	[sflag:s4] =	ssyncset.s32 $0xFFFFF086  }
0x25: {  	[simem:s6], [sflag:s4] =	dma.local [hbm:s3], $0xF7A  }
0x26: {  	[smem:$0x3F9F] =	sst s1;
	(tag) =	ssettag s2;
	_ =	strace s9  }
0x27: {  	s1 =	sld [smem:$0x3FAF]  }
0x28: {  	s2 =	sld [smem:$0x3FB0]  }
0x29: {  	s4 =	sld [smem:$0x3FB2]  }
0x2a: {  	p0 =	seq.s32 s5, $0x0;
	s5 =	sld [smem:$0x3FB3]  }
0x2b: {  	s6 =	sld [smem:$0x3FB4]  }
0x2c: {  	s7 =	sld [smem:$0x3FB5]  }
0x2d: {  	s3 =	simm.s32 $0x108;
	s8 =	sld [smem:$0x3FB6]  }
0x2e: {  	s3 =	simm.s32 @!p0 $0x1082;
	s9 =	sld [smem:$0x3FB7]  }
0x2f: {  	lr =	sadd.s32 s0, s3;
	s0 =	sld [smem:$0x3FAE]  }
0x30: {  	s3 =	sld [smem:$0x3FB1]  }
0x31: {  	[smem:$0x3FBA] =	sst s10  }
0x32: {  	s10 =	sld [smem:$0x3FB8];
	_ =	sdelay $0x3  }
0x33: {  	p0 =	seq.s32 s10, $0x1;
	s10 =	sld [smem:$0x3FBA];
	_ =	sdelay $0x3  }
0x34: {  	[smem:$0x3FBA] =	sst s10  }
0x35: {  	s10 =	sld [smem:$0x3FB9];
	_ =	sdelay $0x3  }
0x36: {  	p1 =	seq.s32 s10, $0x1;
	s10 =	sld [smem:$0x3FBA];
	_ =	sdelay $0x3  }
0x37: {  	[smem:$0x3FBA] =	sst s10  }
0x38: {  	s10 =	sld [smem:$0x3FBB]  }
0x39: {  	_ = 	snop;
	(pc) =	sbr.ind lr, $3  }
0x3a: {  	_ = 	snop  }
0x3b: {  	_ = 	snop  }
0x3c: {  	p2 =	seq.s32 s10, $0x1;
	s10 =	sld [smem:$0x3FBA]  }
0x3d: {  	_ =	shalt  }
0x3e: {  	_ =	shalt  }
0x3f: {  	_ =	shalt  }
0x40: {  	_ =	shalt  }
0x41: {  	_ =	shalt  }
0x42: {  	_ =	shalt  }
0x43: {  	_ =	shalt  }
0x44: {  	_ =	shalt  }
0x45: {  	_ =	shalt  }
0x46: {  	_ =	shalt  }
0x47: {  	_ =	shalt  }
0x48: {  	_ =	shalt  }
0x49: {  	_ =	shalt  }
0x4a: {  	_ =	shalt  }
0x4b: {  	_ =	shalt  }
0x4c: {  	_ =	shalt  }
0x4d: {  	_ =	shalt  }
0x4e: {  	_ =	shalt  }
0x4f: {  	_ =	shalt  }
0x50: {  	_ =	shalt  }
0x51: {  	_ =	shalt  }
0x52: {  	_ =	shalt  }
0x53: {  	_ =	shalt  }
0x54: {  	_ =	shalt  }
0x55: {  	_ =	shalt  }
0x56: {  	_ =	shalt  }
0x57: {  	_ =	shalt  }
0x58: {  	_ =	shalt  }
0x59: {  	_ =	shalt  }
0x5a: {  	_ =	shalt  }
0x5b: {  	_ =	shalt  }
0x5c: {  	_ =	shalt  }
0x5d: {  	_ =	shalt  }
0x5e: {  	_ =	shalt  }
0x5f: {  	_ =	shalt  }
0x60: {  	_ =	shalt  }
0x61: {  	_ =	shalt  }
0x62: {  	_ =	shalt  }
0x63: {  	_ =	shalt  }
0x64: {  	_ =	shalt  }
0x65: {  	_ =	shalt  }
0x66: {  	_ =	shalt  }
0x67: {  	_ =	shalt  }
0x68: {  	_ =	shalt  }
0x69: {  	_ =	shalt  }
0x6a: {  	_ =	shalt  }
0x6b: {  	_ =	shalt  }
0x6c: {  	_ =	shalt  }
0x6d: {  	_ =	shalt  }
0x6e: {  	_ =	shalt  }
0x6f: {  	_ =	shalt  }
0x70: {  	_ =	shalt  }
0x71: {  	_ =	shalt  }
0x72: {  	_ =	shalt  }
0x73: {  	_ =	shalt  }
0x74: {  	_ =	shalt  }
0x75: {  	_ =	shalt  }
0x76: {  	_ =	shalt  }
0x77: {  	_ =	shalt  }
0x78: {  	_ =	shalt  }
0x79: {  	_ =	shalt  }
0x7a: {  	_ =	shalt  }
0x7b: {  	_ =	shalt  }
0x7c: {  	_ =	shalt  }
0x7d: {  	_ =	shalt  }
0x7e: {  	_ =	shalt  }
0x7f: {  	_ =	shalt  }
0x80: {  	_ =	shalt  }
0x81: {  	_ =	shalt  }
0x82: {  	_ =	shalt  }
0x83: {  	_ =	shalt  }
0x84: {  	_ =	shalt  }
0x85: {  	_ =	shalt  }
0x86: {  	_ =	shalt  }
0x87: {  	_ =	shalt  }
.Lfunc_end0:
.L_simem_size_0:
called_computation_lowered:
.L_overlay_start_0:
0x88: {  	s2 =	sld [smem:$0x3FD9]  }
0x89: {  	s3 =	sld [smem:$0x3FFE];
	_ =	sdelay $0x1  }
0x8a: {  	s1 =	srdreg.scid  }
0x8b: {  	s0 =	sand.u32 $0x1, s1  }
0x8c: {  	s17 =	sshll.u32 s0, $0xA;
	s2 =	sadd.s32 s3, s2  }
0x8d: {  	s2 =	sadd.s32 s2, s17  }
0x8e: {  	[smem:$0x3FC6] =	sst s2  }
0x8f: {  	_ = 	snop  }
0x90: {  	s18 =	sld [smem:$0x3FD0];
	(tm) =	ssettm $0x1  }
0x91: {  	s19 =	sld [smem:$0x3FFB];
	_ =	sdelay $0x3  }
0x92: {  	_ =	strace s19  }
0x93: {  	s2 =	sld [smem:$0x3FFC];
	_ =	sdelay $0x3  }
0x94: {  	_ =	strace s2  }
0x95: {  	s2 =	sld [smem:$0x3FFD];
	_ =	sdelay $0x3  }
0x96: {  	_ =	strace s2  }
0x97: {  	_ =	strace $0x8FFFFFFF  }
0x98: {  	s20 =	sld [smem:$0x3FDB];
	_ =	sdelay $0x1  }
0x99: {  	s4 =	simm.s32 $_scs_section_size  }
0x9a: {  	s5 =	simm.s32 $_size__tile_overlayer_lowered;
	s6 =	simm.s32 $_tile_overlayer_lowered  }
0x9b: {  	s7 =	simm.s32 $0x1BFF;
	s21 =	sshll.u32 s6, $0x1;
	s4 =	sadd.s32 s4, s20  }
0x9c: {  	s22 =	simm.s32 $0x0;
	s5 =	sshll.u32 s5, $0x1;
	s6 =	sadd.s32 s21, s4  }
0x9d: {  	[timem:s22], [sflag:s7] =	dma.local [hbm:s6], s5  }
0x9e: {  	_ =	swait.ge [sflag:s7], s5  }
0x9f: {  	s5 =	ssub.s32 $0x0, s5;
	[sflag:s7] =	ssyncset.done $0x0  }
0xa0: {  	[sflag:s7] =	ssyncadd.s32 s5;
	_ =	sdelay $0x1  }
0xa1: {  	s23 =	simm.s32 $0x1B8B  }
0xa2: {  	_ =	swait.ge [sflag:s23], $0x1  }
0xa3: {  	[sflag:s23] =	ssyncset.done $0x0  }
0xa4: {  	[sflag:s23] =	ssyncadd.s32 $0xFFFFFFFF  }
0xa5: {  	s5 =	sld [smem:$0x0]  }
0xa6: {  	s6 =	sand.u32 $0xFFFFFFFE, s1  }
0xa7: {  	p0 =	sne.s32 s1, s6  }
0xa8: {  	s6 =	sshll.u32 @p0 s6, $0xE  }
0xa9: {  	s6 =	sadd.s32 @p0 $0x11B8D, s6;
	s7 =	sshll.u32 @p0 s5, $0x11  }
0xaa: {  	s6 =	sor.u32 @p0 s7, s6  }
0xab: {  	[sflag:s6] =	ssyncadd.remote.s32 @p0 $0x1;
	_ =	sdelay $0x1  }
0xac: {  	s6 =	simm.s32 @p0 $0x1B8D  }
0xad: {  	_ =	swait.eq @p0 [sflag:s6], $0x1  }
0xae: {  	[sflag:s6] =	ssyncadd.s32 @p0 $0xFFFFFFFF  }
0xaf: {  	s7 =	sshll.u32 @!p0 s1, $0xE  }
0xb0: {  	s7 =	sor.u32 @!p0 $0x4000, s7;
	s6 =	simm.s32 @!p0 $0x1B8D  }
0xb1: {  	s5 =	sshll.u32 @!p0 s5, $0x11;
	s7 =	sadd.s32 @!p0 $0x11B8D, s7;
	_ =	swait.eq @!p0 [sflag:s6], $0x1  }
0xb2: {  	s5 =	sor.u32 @!p0 s5, s7;
	[sflag:s6] =	ssyncadd.s32 @!p0 $0xFFFFFFFF  }
0xb3: {  	s25 =	simm.s32 $0x1B8E;
	s24 =	sld [smem:$0x3FFE];
	[sflag:s5] =	ssyncadd.remote.s32 @!p0 $0x1  }
0xb4: {  	s26 =	simm.s32 $execute0_lowered;
	[smem:$0x3FD2] =	sst s25  }
0xb5: {  	s6 =	sshll.u32 s26, $0x1;
	_ =	strace $0x80000049;
	[dreg:$0x1] =	wrdreg $0xFFFFFFFF  }
0xb6: {  	s28 =	simm.s32 $_size_execute0_lowered;
	s4 =	sadd.s32 s4, s6;
	[dreg:$0x0] =	wrdreg $0x0  }
0xb7: {  	s6 =	sshll.u32 s28, $0x1;
	[dreg:$0x2] =	wrdreg s4  }
0xb8: {  	[dreg:$0x3] =	wrdreg s6  }
0xb9: {  	[dreg:$0x4] =	wrdreg $0xC0  }
0xba: {  	_ =	task [dreg:s22], $0x5FFFF  }
0xbb: {  	[dreg:$0x1] =	wrdreg $0xFFFFFFFF  }
0xbc: {  	[dreg:$0x0] =	wrdreg $0x60  }
0xbd: {  	[dreg:$0x2] =	wrdreg s24  }
0xbe: {  	[dreg:$0x3] =	wrdreg s18  }
0xbf: {  	[dreg:$0x4] =	wrdreg $0x102000  }
0xc0: {  	[dreg:$0x5] =	wrdreg $0x9  }
0xc1: {  	_ =	task.clear_ibuf [dreg:s22], $0x6FFFF;
	_ =	strace $0x90000049  }
0xc2: {  	s29 =	simm.s32 $0x9;
	_ =	strace $0x8000004B  }
0xc3: {  	_ =	swait.ge [sflag:s29], $0x1  }
0xc4: {  	[sflag:s29] =	ssyncadd.s32 $0xFFFFFFFF  }
0xc5: {  	_ =	strace $0x9000004B  }
0xc6: {  	_ =	sfence  }
0xc7: {  	s30 =	sld [smem:$0x0];
	_ =	sdelay $0x2  }
0xc8: {  	s31 =	sshll.u32 s1, $0xD;
	s1 =	sshrl.u32 s1, $0x2  }
0xc9: {  	s4 =	sand.u32 $0x4000, s31;
	s1 =	sadd.s32 s1, s30  }
0xca: {  	s0 =	sor.u32 s4, s0;
	s1 =	sshll.u32 s1, $0x11  }
0xcb: {  	s0 =	sor.u32 s1, s0  }
0xcc: {  	s0 =	sadd.s32 $0x8F2B, s0  }
0xcd: {  	[sflag:s0] =	ssyncadd.remote.s32 $0x1  }
0xce: {  	_ =	sfence.sel $0xFFFF  }
0xcf: {  	[dreg:$0x0] =	wrdreg $0xFFFFFFFF;
	(pc) =	sbr.abs _section_cstart, $3  }
0xd0: {  	[dreg:$0x1] =	wrdreg $0xFFFFFFFF  }
0xd1: {  	_ =	task.clear_ibuf [dreg:s22], $0x2FFFF;
	_ =	strace $0x9FFFFFFF  }
0xd2: {  	(tm) =	ssettm $0x7FFFFFFF  }
0xd3: {  	_ =	shalt  }
tec
execute0_lowered:
.L_overlay_start_1:
0x0: {  	(tag) =	ssettag $0x1  }
0x1: {  	s3 =	rddreg [dreg:$0x0]  }
0x2: {  	s4 =	rddreg [dreg:$0x1]  }
0x3: {  	s1 =	rddreg [dreg:$0x2];
	s2 =	srdreg.scid  }
0x4: {  	s0 =	rddreg [dreg:$0x3];
	s9 =	stileid.u32;
	s22 =	simm.s32 $0x200  }
0x5: {  	s19 =	simm.s32 $0x4200;
	s23 =	simm.s32 $0x1;
	s21 =	simm.s32 $0x2  }
0x6: {  	s16 =	simm.s32 $0x3;
	s17 =	simm.s32 $0x100;
	p1 =	por $0x0, $0x0  }
0x7: {  	s6 =	sand.u32 $0x1, s2;
	s2 =	simm.s32 $0x0;
	s5 =	sshll.u32 s9, $0xE  }
0x8: {  	s14 =	sadd.s32 $0x42200, s3;
	s26 =	sshll.u32 s9, $0xA;
	s12 =	sshll.u32 s9, $0x7  }
0x9: {  	s30 =	sshll.u32 s9, $0xD;
	p0 =	sne.s32 s9, $0x0;
	s9 =	sshll.u32 s9, $0x6  }
0xa: {  	s7 =	sshll.u32 s6, $0xD;
	[smem:$0x7FF] =	sst s2;
	s8 =	ssub.s32 $0x2, s6  }
0xb: {  	s10 =	sshll.u32 s6, $0x6;
	s6 =	sshll.u32 s6, $0xE;
	s11 =	sshrl.u32 s8, $0x1  }
0xc: {  	s31 =	sadd.s32 s30, s1;
	s24 =	sshrl.u32 @!p0 s1, $0x3;
	s29 =	ssub.s32 s8, s11  }
0xd: {  	s9 =	sor.u32 $0x1C05, s9;
	s5 =	sor.u32 s7, s5;
	s13 =	smax.u32 s29, $0x1  }
0xe: {  	_ =	strace $0x8000004A;
	s4 =	sadd.s32 s4, s10;
	s28 =	sadd.s32 $0xFFFFFFFF, s13  }
0xf: {  	s7 =	simm.s32 $0xC200;
	s10 =	simm.s32 $0x4;
	p2 =	sne.s32 s28, $0x0  }
.Ltmp0:
0x10: {  	s5 =	sadd.s32 s5, s3;
	s3 =	sadd.s32 s26, s3;
	(pc) =	sbr.rel @!p2 .LBB2_3-.Ltmp0, $4  }
0x11: {  	s20 =	sadd.s32 s12, s4;
	s4 =	simm.s32 $0x5;
	s12 =	simm.s32 $0x8200  }
0x12: {  	s11 =	sshrl.u32 s31, $0x3;
	s18 =	sadd.s32 $0x4E200, s5;
	s15 =	sadd.s32 $0x4EA00, s5  }
0x13: {  	s8 =	sadd.s32 $0x4F200, s5;
	s5 =	sadd.s32 $0x4FA00, s5;
	s3 =	sadd.s32 s6, s3  }
0x14: {  	s6 =	simm.s32 $0x80;
	s3 =	sadd.s32 $0x8E200, s3;
	s13 =	simm.s32 $0x180  }
0x15: {  	s25 =	simm.s32 @!p0 $0x1C05;
	s26 =	simm.s32 @!p0 $0x5  }
0x16: {  	[spmem:s24], [sflag:s25] =	dma.local @!p0 [hbm:s14], $0x4000  }
0x17: {  	_ =	swait.ge @!p0 [sflag:s26], $0x4000  }
0x18: {  	[sflag:s26] =	ssyncset.done @!p0 $0x0  }
0x19: {  	[sflag:s26] =	ssyncadd.s32 @!p0 $0xFFFFC000  }
0x1a: {  	[tilespmem:s2], [sflag:$0x5] =	stream.linear.gather [hbm4b:s20+s2], $0x200, $0x38;
	[tilespmem:$0x12200] =	vst v63  }
0x1b: {  	_ =	swait.ge [sflag:s4], $0x200  }
0x1c: {  	[sflag:s4] =	ssyncset.done $0x0  }
0x1d: {  	[sflag:s4] =	ssyncadd.s32 $0xFFFFFE00  }
0x1e: {  	[tilespmem:s22], [sflag:$0x1] =	stream.linear.gather [hbm4b:s18+s2], $0x4000, $0x38;
	[tilespmem:$0x12200] =	vst v63  }
0x1f: {  	[bflag:$0x0] =	sbarrier.arrive $0xFFFF  }
0x20: {  	[tilespmem:s19], [sflag:$0x2] =	stream.linear.gather [hbm4b:s15+s2], $0x4000, $0x38;
	[tilespmem:$0x12200] =	vst v63  }
0x21: {  	_ =	swait.ge [sflag:s23], $0x4000  }
0x22: {  	[sflag:s23] =	ssyncset.done $0x0  }
0x23: {  	[sflag:s23] =	ssyncadd.s32 $0xFFFFC000  }
0x24: {  	[spmem:s1] =	stream.indirect.scatter.add.f32 [tilespmem:s22], [sflag:$0x5], $0x80, s2, s6, $0xb8;
	[tilespmem:$0x12200] =	vst v63  }
0x25: {  	_ =	swait.ge [sflag:s4], $0x4000  }
0x26: {  	[sflag:s4] =	ssyncset.done $0x0  }
0x27: {  	[sflag:s4] =	ssyncadd.s32 $0xFFFFC000  }
0x28: {  	[tilespmem:s12], [sflag:$0x3] =	stream.linear.gather [hbm4b:s8+s2], $0x4000, $0x38;
	[tilespmem:$0x12200] =	vst v63  }
0x29: {  	_ =	swait.ge [sflag:s21], $0x4000  }
0x2a: {  	[sflag:s21] =	ssyncset.done $0x0  }
0x2b: {  	[sflag:s21] =	ssyncadd.s32 $0xFFFFC000  }
0x2c: {  	[spmem:s1] =	stream.indirect.scatter.add.f32 [tilespmem:s19], [sflag:$0x5], $0x80, s6, s6, $0xb8;
	[tilespmem:$0x12200] =	vst v63  }
0x2d: {  	_ =	swait.ge [sflag:s4], $0x4000  }
0x2e: {  	[sflag:s4] =	ssyncset.done $0x0  }
0x2f: {  	[sflag:s4] =	ssyncadd.s32 $0xFFFFC000  }
0x30: {  	[tilespmem:s7], [sflag:$0x4] =	stream.linear.gather [hbm4b:s5+s2], $0x4000, $0x38;
	[tilespmem:$0x12200] =	vst v63  }
0x31: {  	_ =	swait.ge [sflag:s16], $0x4000  }
0x32: {  	[sflag:s16] =	ssyncset.done $0x0  }
0x33: {  	[sflag:s16] =	ssyncadd.s32 $0xFFFFC000  }
0x34: {  	[spmem:s1] =	stream.indirect.scatter.add.f32 [tilespmem:s12], [sflag:$0x5], $0x80, s17, s6, $0xb8;
	[tilespmem:$0x12200] =	vst v63  }
0x35: {  	_ =	swait.ge [sflag:s4], $0x4000  }
0x36: {  	[sflag:s4] =	ssyncset.done $0x0  }
0x37: {  	[sflag:s4] =	ssyncadd.s32 $0xFFFFC000  }
0x38: {  	_ =	swait.ge [sflag:s10], $0x4000  }
0x39: {  	[sflag:s10] =	ssyncset.done $0x0  }
0x3a: {  	[sflag:s10] =	ssyncadd.s32 $0xFFFFC000  }
0x3b: {  	[spmem:s1] =	stream.indirect.scatter.add.f32 [tilespmem:s7], [sflag:$0x5], $0x80, s13, s6, $0xb8;
	[tilespmem:$0x12200] =	vst v63  }
0x3c: {  	s28 =	sadd.s32 $0xFFFFFFFF, s28;
	_ =	swait.ge [sflag:s4], $0x4000  }
0x3d: {  	p2 =	sne.s32 s28, $0x0;
	[sflag:s4] =	ssyncset.done $0x0  }
.Ltmp1:
0x3e: {  	[sflag:s4] =	ssyncadd.s32 $0xFFFFC000;
	(pc) =	sbr.rel @!p2 .LBB2_3-.Ltmp1, $4  }
0x3f: {  	[bflag:$0x0] =	sbarrier.arrive $0xFFFF  }
0x40: {  	[hbm:s3], [sflag:s9] =	dma.local [spmem:s11], $0x400  }
0x41: {  	_ =	swait.ge [sflag:s4], $0x400  }
0x42: {  	p1 =	por $0x1, $0x1;
	[sflag:s4] =	ssyncset.done $0x0  }
.LBB2_2:
0x43: {  	[sflag:s4] =	ssyncadd.s32 $0xFFFFFC00  }
0x44: {  	[spmem:s24], [sflag:s25] =	dma.local @!p0 [hbm:s14], $0x4000  }
0x45: {  	s28 =	sadd.s32 $0xFFFFFFFF, s28;
	_ =	swait.ge @!p0 [sflag:s26], $0x4000  }
0x46: {  	p2 =	sne.s32 s28, $0x0;
	[sflag:s26] =	ssyncset.done @!p0 $0x0  }
0x47: {  	[sflag:s26] =	ssyncadd.s32 @!p0 $0xFFFFC000  }
0x48: {  	[tilespmem:s2], [sflag:$0x5] =	stream.linear.gather [hbm4b:s20+s2], $0x200, $0x38;
	[tilespmem:$0x12200] =	vst v63  }
0x49: {  	_ =	swait.ge [sflag:s4], $0x200  }
0x4a: {  	[sflag:s4] =	ssyncset.done $0x0  }
0x4b: {  	[sflag:s4] =	ssyncadd.s32 $0xFFFFFE00  }
0x4c: {  	[tilespmem:s22], [sflag:$0x1] =	stream.linear.gather [hbm4b:s18+s2], $0x4000, $0x38;
	[tilespmem:$0x12200] =	vst v63  }
0x4d: {  	[bflag:$0x0] =	sbarrier.arrive $0xFFFF  }
0x4e: {  	[tilespmem:s19], [sflag:$0x2] =	stream.linear.gather [hbm4b:s15+s2], $0x4000, $0x38;
	[tilespmem:$0x12200] =	vst v63  }
0x4f: {  	_ =	swait.ge [sflag:s23], $0x4000  }
0x50: {  	[sflag:s23] =	ssyncset.done $0x0  }
0x51: {  	[sflag:s23] =	ssyncadd.s32 $0xFFFFC000  }
0x52: {  	[spmem:s1] =	stream.indirect.scatter.add.f32 [tilespmem:s22], [sflag:$0x5], $0x80, s2, s6, $0xb8;
	[tilespmem:$0x12200] =	vst v63  }
0x53: {  	_ =	swait.ge [sflag:s4], $0x4000  }
0x54: {  	[sflag:s4] =	ssyncset.done $0x0  }
0x55: {  	[sflag:s4] =	ssyncadd.s32 $0xFFFFC000  }
0x56: {  	[tilespmem:s12], [sflag:$0x3] =	stream.linear.gather [hbm4b:s8+s2], $0x4000, $0x38;
	[tilespmem:$0x12200] =	vst v63  }
0x57: {  	_ =	swait.ge [sflag:s21], $0x4000  }
0x58: {  	[sflag:s21] =	ssyncset.done $0x0  }
0x59: {  	[sflag:s21] =	ssyncadd.s32 $0xFFFFC000  }
0x5a: {  	[spmem:s1] =	stream.indirect.scatter.add.f32 [tilespmem:s19], [sflag:$0x5], $0x80, s6, s6, $0xb8;
	[tilespmem:$0x12200] =	vst v63  }
0x5b: {  	_ =	swait.ge [sflag:s4], $0x4000  }
0x5c: {  	[sflag:s4] =	ssyncset.done $0x0  }
0x5d: {  	[sflag:s4] =	ssyncadd.s32 $0xFFFFC000  }
0x5e: {  	[tilespmem:s7], [sflag:$0x4] =	stream.linear.gather [hbm4b:s5+s2], $0x4000, $0x38;
	[tilespmem:$0x12200] =	vst v63  }
0x5f: {  	_ =	swait.ge [sflag:s16], $0x4000  }
0x60: {  	[sflag:s16] =	ssyncset.done $0x0  }
0x61: {  	[sflag:s16] =	ssyncadd.s32 $0xFFFFC000  }
0x62: {  	[spmem:s1] =	stream.indirect.scatter.add.f32 [tilespmem:s12], [sflag:$0x5], $0x80, s17, s6, $0xb8;
	[tilespmem:$0x12200] =	vst v63  }
0x63: {  	_ =	swait.ge [sflag:s4], $0x4000  }
0x64: {  	[sflag:s4] =	ssyncset.done $0x0  }
0x65: {  	[sflag:s4] =	ssyncadd.s32 $0xFFFFC000  }
0x66: {  	_ =	swait.ge [sflag:s10], $0x4000  }
0x67: {  	[sflag:s10] =	ssyncset.done $0x0  }
0x68: {  	[sflag:s10] =	ssyncadd.s32 $0xFFFFC000  }
0x69: {  	[spmem:s1] =	stream.indirect.scatter.add.f32 [tilespmem:s7], [sflag:$0x5], $0x80, s13, s6, $0xb8;
	[tilespmem:$0x12200] =	vst v63  }
0x6a: {  	_ =	swait.ge [sflag:s4], $0x4000  }
0x6b: {  	[sflag:s4] =	ssyncset.done $0x0  }
.Ltmp2:
0x6c: {  	[sflag:s4] =	ssyncadd.s32 $0xFFFFC000;
	(pc) =	sbr.rel @p2 .LBB2_2-.Ltmp2, $4  }
0x6d: {  	[bflag:$0x0] =	sbarrier.arrive $0xFFFF  }
0x6e: {  	[hbm:s3], [sflag:s9] =	dma.local [spmem:s11], $0x400  }
0x6f: {  	_ =	swait.ge [sflag:s4], $0x400  }
0x70: {  	[sflag:s4] =	ssyncset.done $0x0  }
.LBB2_3:
0x71: {  	s25 =	simm.s32 @!p0 $0x1C05;
	[sflag:s4] =	ssyncadd.s32 @p1 $0xFFFFFC00  }
0x72: {  	[spmem:s24], [sflag:s25] =	dma.local @!p0 [hbm:s14], $0x4000  }
0x73: {  	s14 =	simm.s32 @!p0 $0x5  }
0x74: {  	_ =	swait.ge @!p0 [sflag:s14], $0x4000  }
0x75: {  	[sflag:s14] =	ssyncset.done @!p0 $0x0  }
0x76: {  	[sflag:s14] =	ssyncadd.s32 @!p0 $0xFFFFC000  }
0x77: {  	[tilespmem:s2], [sflag:$0x5] =	stream.linear.gather [hbm4b:s20+s2], $0x200, $0x38;
	[tilespmem:$0x12200] =	vst v63  }
0x78: {  	_ =	swait.ge [sflag:s4], $0x200  }
0x79: {  	[sflag:s4] =	ssyncset.done $0x0  }
0x7a: {  	[sflag:s4] =	ssyncadd.s32 $0xFFFFFE00  }
0x7b: {  	[tilespmem:s22], [sflag:$0x1] =	stream.linear.gather [hbm4b:s18+s2], $0x4000, $0x38;
	[tilespmem:$0x12200] =	vst v63  }
0x7c: {  	[bflag:$0x0] =	sbarrier.arrive $0xFFFF  }
0x7d: {  	[tilespmem:s19], [sflag:$0x2] =	stream.linear.gather [hbm4b:s15+s2], $0x4000, $0x38;
	[tilespmem:$0x12200] =	vst v63  }
0x7e: {  	_ =	swait.ge [sflag:s23], $0x4000  }
0x7f: {  	[sflag:s23] =	ssyncset.done $0x0  }
0x80: {  	[sflag:s23] =	ssyncadd.s32 $0xFFFFC000  }
0x81: {  	[spmem:s1] =	stream.indirect.scatter.add.f32 [tilespmem:s22], [sflag:$0x5], $0x80, s2, s6, $0xb8;
	[tilespmem:$0x12200] =	vst v63  }
0x82: {  	_ =	swait.ge [sflag:s4], $0x4000  }
0x83: {  	[sflag:s4] =	ssyncset.done $0x0  }
0x84: {  	[sflag:s4] =	ssyncadd.s32 $0xFFFFC000  }
0x85: {  	[tilespmem:s12], [sflag:$0x3] =	stream.linear.gather [hbm4b:s8+s2], $0x4000, $0x38;
	[tilespmem:$0x12200] =	vst v63  }
0x86: {  	_ =	swait.ge [sflag:s21], $0x4000  }
0x87: {  	[sflag:s21] =	ssyncset.done $0x0  }
0x88: {  	[sflag:s21] =	ssyncadd.s32 $0xFFFFC000  }
0x89: {  	[spmem:s1] =	stream.indirect.scatter.add.f32 [tilespmem:s19], [sflag:$0x5], $0x80, s6, s6, $0xb8;
	[tilespmem:$0x12200] =	vst v63  }
0x8a: {  	_ =	swait.ge [sflag:s4], $0x4000  }
0x8b: {  	[sflag:s4] =	ssyncset.done $0x0  }
0x8c: {  	[sflag:s4] =	ssyncadd.s32 $0xFFFFC000  }
0x8d: {  	[tilespmem:s7], [sflag:$0x4] =	stream.linear.gather [hbm4b:s5+s2], $0x4000, $0x38;
	[tilespmem:$0x12200] =	vst v63  }
0x8e: {  	_ =	swait.ge [sflag:s16], $0x4000  }
0x8f: {  	[sflag:s16] =	ssyncset.done $0x0  }
0x90: {  	[sflag:s16] =	ssyncadd.s32 $0xFFFFC000  }
0x91: {  	[spmem:s1] =	stream.indirect.scatter.add.f32 [tilespmem:s12], [sflag:$0x5], $0x80, s17, s6, $0xb8;
	[tilespmem:$0x12200] =	vst v63  }
0x92: {  	_ =	swait.ge [sflag:s4], $0x4000  }
0x93: {  	[sflag:s4] =	ssyncset.done $0x0  }
0x94: {  	[sflag:s4] =	ssyncadd.s32 $0xFFFFC000  }
0x95: {  	_ =	swait.ge [sflag:s10], $0x4000  }
0x96: {  	[sflag:s10] =	ssyncset.done $0x0  }
0x97: {  	[sflag:s10] =	ssyncadd.s32 $0xFFFFC000  }
0x98: {  	[spmem:s1] =	stream.indirect.scatter.add.f32 [tilespmem:s7], [sflag:$0x5], $0x80, s13, s6, $0xb8;
	[tilespmem:$0x12200] =	vst v63  }
0x99: {  	_ =	swait.ge [sflag:s4], $0x4000  }
0x9a: {  	[sflag:s4] =	ssyncset.done $0x0  }
0x9b: {  	[sflag:s4] =	ssyncadd.s32 $0xFFFFC000  }
0x9c: {  	[bflag:$0x0] =	sbarrier.arrive $0xFFFF  }
0x9d: {  	[hbm:s3], [sflag:s9] =	dma.local [spmem:s11], $0x400  }
0x9e: {  	_ =	swait.ge [sflag:s4], $0x400  }
0x9f: {  	[sflag:s4] =	ssyncset.done $0x0  }
0xa0: {  	[sflag:s4] =	ssyncadd.s32 $0xFFFFFC00  }
0xa1: {  	_ =	sfence.sel $0x180000  }
0xa2: {  	[bflag:$0x0] =	sbarrier.arrive $0xFFFF  }
0xa3: {  	_ =	strace $0x9000004A  }
0xa4: {  	s0 =	sadd.s32 @!p0 $0x100000, s0;
	[bflag:$0x2] =	sbarrier.arrive $0xFFFF  }
0xa5: {  	[sflag:s0] =	ssyncadd.tile.s32 @!p0 $0x1;
	_ =	shalt  }
.Lfunc_end2:
_tile_overlayer_lowered:
.L_overlay_start_2:
0xa6: {  	(tag) =	ssettag $0x2  }
0xa7: {  	s0 =	rddreg [dreg:$0x0];
	s2 =	stileid.u32  }
0xa8: {  	s1 =	rddreg [dreg:$0x1];
	p0 =	sne.s32 s2, $0x0  }
0xa9: {  	s3 =	rddreg [dreg:$0x2];
	[bflag:$0x3] =	sbarrier.arrive $0xFFFF;
	s2 =	simm.s32 @!p0 $0x1C05  }
0xaa: {  	[timem:s3], [sflag:s2] =	dma.local @!p0 [hbm:s0], s1  }
0xab: {  	s0 =	simm.s32 @!p0 $0x5  }
0xac: {  	_ =	swait.ge @!p0 [sflag:s0], s1  }
0xad: {  	s1 =	ssub.s32 @!p0 $0x0, s1;
	[sflag:s0] =	ssyncset.done @!p0 $0x0  }
0xae: {  	[sflag:s0] =	ssyncadd.s32 @!p0 s1  }
0xaf: {  	[bflag:$0x3] =	sbarrier.arrive $0xFFFF  }
0xb0: {  	_ =	shalt  }

</sc_bundles>
